<compile_context>
chip_gen: v7x
topology: tpu7x:2x2x1
jax: 0.10.2.dev20260603
libtpu: 0.0.44.dev20260713+nightly
codegen_flags: <defaults>
</compile_context>

<pallas_src>
import functools

import jax
import jax.numpy as jnp
from jax import lax
from jax.experimental import pallas as pl
from jax.experimental.pallas import tpu as pltpu
from jax.experimental.pallas import tpu_sc as plsc

B = 16384
D = 32
L = 20
NC = 2
NS = 16
NW = NC * NS
BPW = B // NW
CH = 128
NCH = BPW // CH
WR = 4 * D


NQ = 4
PB = 8064
G = 31 * PB
TAIL0 = NQ * G
NTAIL = 1000000 - TAIL0


NB = G // PB


def _tc_transpose_body(xt_ref, out_ref, *scratch):
  i = pl.program_id(0)
  sets = (scratch[0:NQ], scratch[NQ:2 * NQ])
  sems = scratch[2 * NQ]

  def fire(blk, par):
    for q in range(NQ):
      pltpu.make_async_copy(
          xt_ref.at[:, pl.ds(q * G + blk * PB, PB)],
          sets[par][q], sems.at[par]).start()

  @pl.when(i == 0)
  def _():
    fire(0, 0)

  def step(par):
    @pl.when(i % 2 == par)
    def _():
      @pl.when(i + 1 < NB)
      def _():
        fire(i + 1, 1 - par)
      for q in range(NQ):
        pltpu.make_async_copy(
            xt_ref.at[:, pl.ds(0, PB)], sets[par][q], sems.at[par]).wait()
      for q in range(NQ):
        out_ref[:, q * D:(q + 1) * D] = jnp.transpose(sets[par][q][...])

  step(0)
  step(1)


def _tc_transpose(id_table_t):
  return pl.pallas_call(
      _tc_transpose_body,
      grid=(NB,),
      in_specs=[pl.BlockSpec(memory_space=pl.ANY)],
      out_specs=pl.BlockSpec((PB, WR), lambda i: (i, 0)),
      out_shape=jax.ShapeDtypeStruct((G, WR), jnp.float32),
      scratch_shapes=[pltpu.VMEM((D, PB), jnp.float32)] * (2 * NQ)
      + [pltpu.SemaphoreType.DMA((2,))],
  )(id_table_t)


def _sc_id_gather(rec_p, id_table_wide):
  mesh = plsc.VectorSubcoreMesh(
      core_axis_name="c", subcore_axis_name="s",
      num_cores=NC, num_subcores=NS)

  @functools.partial(
      pl.kernel,
      out_type=jax.ShapeDtypeStruct((B, WR), jnp.float32),
      mesh=mesh,
      scratch_types=[
          pltpu.VMEM((NCH, CH), jnp.int32),
          pltpu.VMEM((BPW, WR), jnp.float32),
          pltpu.SemaphoreType.DMA,
      ],
      compiler_params=pltpu.CompilerParams(use_tc_tiling_on_sc=True),
  )
  def k(rec_hbm, tab_hbm, out_hbm, pidx, rows, sem):
    wid = lax.axis_index("s") * NC + lax.axis_index("c")
    base = wid * BPW
    pltpu.sync_copy(rec_hbm.at[wid], pidx)
    cps = [pltpu.async_copy(tab_hbm.at[pidx.at[kk]],
                            rows.at[pl.ds(kk * CH, CH)], sem)
           for kk in range(NCH)]
    for c in cps:
      c.wait()
    pltpu.sync_copy(rows, out_hbm.at[pl.ds(base, BPW)])

  return k(rec_p, id_table_wide)


def _sc_bag_gather(ing_g, ing_table):
  mesh = plsc.VectorSubcoreMesh(
      core_axis_name="c", subcore_axis_name="s",
      num_cores=NC, num_subcores=NS)

  @functools.partial(
      pl.kernel,
      out_type=jax.ShapeDtypeStruct((B, D), jnp.float32),
      mesh=mesh,
      scratch_types=[
          pltpu.VMEM((L, NCH, CH), jnp.int32),
          pltpu.VMEM((BPW, D), jnp.float32),
          pltpu.VMEM((BPW, D), jnp.float32),
          pltpu.SemaphoreType.DMA,
      ],
      compiler_params=pltpu.CompilerParams(use_tc_tiling_on_sc=False),
  )
  def k(ing_hbm, ingtab_hbm, ingo_hbm, iidx, acc, buf, sem):
    wid = lax.axis_index("s") * NC + lax.axis_index("c")
    base = wid * BPW
    pltpu.sync_copy(ing_hbm.at[wid], iidx)

    cps = [pltpu.async_copy(ingtab_hbm.at[iidx.at[0, kk]],
                            acc.at[pl.ds(kk * CH, CH)], sem)
           for kk in range(NCH)]
    for c in cps:
      c.wait()

    @pl.loop(1, L)
    def _(j):
      cps2 = [pltpu.async_copy(ingtab_hbm.at[iidx.at[j, kk]],
                               buf.at[pl.ds(kk * CH, CH)], sem)
              for kk in range(NCH)]
      for c in cps2:
        c.wait()

      @pl.loop(0, BPW, unroll=4)
      def _(i):
        plsc.addupdate(acc.at[i, pl.ds(0, 16)], buf[i, pl.ds(0, 16)])
        plsc.addupdate(acc.at[i, pl.ds(16, 16)], buf[i, pl.ds(16, 16)])

    pltpu.sync_copy(acc, ingo_hbm.at[pl.ds(base, BPW)])

  return k(ing_g, ing_table)


def _mlp_body(idw_ref, q_ref, t_ref, tail_ref, ing_ref, nut_ref, w1s_ref,
              wn_ref, bn_ref, w1b_ref, w1c_ref, b1_ref, w2_ref, b2_ref,
              out_ref):
  f32 = jnp.float32
  bb = idw_ref.shape[0]
  quarter = lax.broadcasted_iota(jnp.int32, (bb, WR), 1) >> 5
  mask = (quarter == q_ref[...]).astype(f32)
  id_sel = idw_ref[...] * mask
  onehot = (lax.broadcasted_iota(jnp.int32, (bb, NTAIL), 1)
            == t_ref[...]).astype(f32)
  tail_emb = jnp.dot(onehot, tail_ref[...], preferred_element_type=f32)
  nut_feat = jnp.dot(nut_ref[...], wn_ref[...],
                     preferred_element_type=f32) + bn_ref[...]
  z = (jnp.dot(id_sel, w1s_ref[...], preferred_element_type=f32)
       + jnp.dot(tail_emb, w1s_ref[0:D, :], preferred_element_type=f32)
       + jnp.dot(ing_ref[...] * (1.0 / L), w1b_ref[...],
                 preferred_element_type=f32)
       + jnp.dot(nut_feat, w1c_ref[...], preferred_element_type=f32)
       + b1_ref[...])
  h = jnp.maximum(z, 0.0)
  res = jnp.dot(h, w2_ref[...], preferred_element_type=f32) + b2_ref[...]
  out_ref[...] = jnp.transpose(res)


def _tc_mlp(id_wide, rec_q, rec_t, tail_rm, ing_sum, nut_pad, w1sT, wnT, bn,
            w1bT, w1cT, b1, w2T, b2):
  BB = 2048
  grid = (B // BB,)
  full = lambda s: pl.BlockSpec(s, lambda i: (0, 0))
  return pl.pallas_call(
      _mlp_body,
      grid=grid,
      in_specs=[
          pl.BlockSpec((BB, WR), lambda i: (i, 0)),
          pl.BlockSpec((BB, 1), lambda i: (i, 0)),
          pl.BlockSpec((BB, 1), lambda i: (i, 0)),
          full((NTAIL, D)),
          pl.BlockSpec((BB, D), lambda i: (i, 0)),
          pl.BlockSpec((BB, 8), lambda i: (i, 0)),
          full((WR, D)), full((8, D)), full((1, D)), full((D, D)),
          full((D, D)), full((1, D)), full((D, D)), full((1, D)),
      ],
      out_specs=pl.BlockSpec((D, BB), lambda i: (0, i)),
      out_shape=jax.ShapeDtypeStruct((D, B), jnp.float32),
  )(id_wide, rec_q, rec_t, tail_rm, ing_sum, nut_pad, w1sT, wnT, bn, w1bT,
    w1cT, b1, w2T, b2)


def kernel(recipe_indices, ingredient_indices, nutrition_tensor, id_table,
           ing_table, W_nut, b_nut, W1, b1, W2, b2):
  rec = recipe_indices.astype(jnp.int32)
  is_tail = rec >= TAIL0
  rec_p = jnp.where(is_tail, 0, rec % G).reshape(NW, NCH, CH)
  rec_q = jnp.where(is_tail, NQ, rec // G).reshape(B, 1)
  rec_t = jnp.where(is_tail, rec - TAIL0, NTAIL).reshape(B, 1)
  ing_g = (ingredient_indices.astype(jnp.int32).T
           .reshape(L, NW, NCH, CH).transpose(1, 0, 2, 3))

  id_wide_tab = _tc_transpose(id_table.T)
  id_wide = _sc_id_gather(rec_p, id_wide_tab)
  ing_sum = _sc_bag_gather(ing_g, ing_table)

  tail_rm = id_table[TAIL0:]
  nut_pad = jnp.pad(nutrition_tensor, ((0, 0), (0, 1)))
  wnT = jnp.pad(W_nut.T, ((0, 1), (0, 0)))
  w1sT = jnp.tile(W1[:, :D].T, (4, 1))
  outT = _tc_mlp(
      id_wide, rec_q, rec_t, tail_rm, ing_sum, nut_pad, w1sT, wnT,
      b_nut.reshape(1, D), W1[:, D:2 * D].T, W1[:, 2 * D:].T,
      b1.reshape(1, D), W2.T, b2.reshape(1, D))
  return outT.T

# --- scband reference (transcript-rebuilt; emitter-appended) ---
"""Pipeline reference for scband-recipe-tower-64269890617879 (READ-ONLY COPY).

The authoritative reference and input builder live on the scoring server;
editing this copy changes nothing except your own understanding.
"""

import jax, jax.numpy as jnp
import numpy as np

NUM_RECIPES = 1000000
VOCAB = 100000
DIM = 32
BATCH = 16384
L = 20

def setup_inputs(seed: int = 0) -> dict:
    key = jax.random.key(seed)
    ks = jax.random.split(key, 12)
    recipe_indices = jax.random.randint(ks[0], (BATCH,), 0, NUM_RECIPES, dtype=jnp.int64 if jax.config.jax_enable_x64 else jnp.int32)
    ingredient_indices = jax.random.randint(ks[1], (BATCH, L), 0, VOCAB + 1, dtype=jnp.int64 if jax.config.jax_enable_x64 else jnp.int32)
    nutrition_tensor = jax.random.normal(ks[2], (BATCH, 7), dtype=jnp.float32)
    id_table = jax.random.normal(ks[3], (NUM_RECIPES, DIM), dtype=jnp.float32) * 0.02
    ing_table = jax.random.normal(ks[4], (VOCAB + 1, DIM), dtype=jnp.float32) * 0.02
    W_nut = jax.random.normal(ks[5], (DIM, 7), dtype=jnp.float32) * (1.0 / np.sqrt(7))
    b_nut = jnp.zeros((DIM,), dtype=jnp.float32)
    W1 = jax.random.normal(ks[6], (DIM, DIM * 3), dtype=jnp.float32) * (1.0 / np.sqrt(DIM * 3))
    b1 = jnp.zeros((DIM,), dtype=jnp.float32)
    W2 = jax.random.normal(ks[7], (DIM, DIM), dtype=jnp.float32) * (1.0 / np.sqrt(DIM))
    b2 = jnp.zeros((DIM,), dtype=jnp.float32)
    return {
        "recipe_indices": recipe_indices,
        "ingredient_indices": ingredient_indices,
        "nutrition_tensor": nutrition_tensor,
        "id_table": id_table,
        "ing_table": ing_table,
        "W_nut": W_nut,
        "b_nut": b_nut,
        "W1": W1,
        "b1": b1,
        "W2": W2,
        "b2": b2,
    }

def reference(recipe_indices, ingredient_indices, nutrition_tensor, id_table, ing_table, W_nut, b_nut, W1, b1, W2, b2):
    # nn.Embedding lookup
    id_emb = jnp.take(id_table, recipe_indices, axis=0)
    # nn.EmbeddingBag(mode='mean') with 2D indices: gather then mean over bag dim
    ing_emb = jnp.mean(jnp.take(ing_table, ingredient_indices, axis=0), axis=1)
    # nutrition dense
    nut_feat = nutrition_tensor @ W_nut.T + b_nut
    combined = jnp.concatenate([id_emb, ing_emb, nut_feat], axis=1)
    h = jax.nn.relu(combined @ W1.T + b1)
    out = h @ W2.T + b2
    return out

if __name__ == "__main__":
    import jax
    _d = setup_inputs()
    print(jax.jit(kernel)(*tuple(_d.values())))

</pallas_src>

<mosaic_0001>
#map = affine_map<(d0, d1) -> (0, 0, 0, 0)>
#map1 = affine_map<(d0, d1) -> (0, 0)>
module attributes {stable_mosaic.version = 14 : i64} {
  func.func @k(%arg0: i32, %arg1: i32, %arg2: memref<32x20x4x128xi32, #tpu.memory_space<hbm>>, %arg3: memref<100001x32xf32, #tpu.memory_space<hbm>>, %arg4: memref<16384x32xf32, #tpu.memory_space<hbm>>, %arg5: memref<20x4x128xi32, #tpu.memory_space<vmem>>, %arg6: memref<512x32xf32, #tpu.memory_space<vmem>>, %arg7: memref<512x32xf32, #tpu.memory_space<vmem>>, %arg8: memref<!tpu.dma_semaphore, #tpu.memory_space<semaphore_mem>>) attributes {dimension_semantics = [#tpu.dimension_semantics<core_parallel>, #tpu.dimension_semantics<subcore_parallel>], iteration_bounds = array<i64: 2, 16>, scalar_prefetch = 0 : i64, scratch_operands = 4 : i64, tpu.core_type = #tpu.core_type<sc_vector_subcore>, window_params = [{transform_indices = #map}, {transform_indices = #map1}, {transform_indices = #map1}]} {
    %mul3A = arith.constant 2 : i32
    %mul3A_0 = arith.muli %arg1, %mul3A : i32
    %add3A = arith.addi %mul3A_0, %arg0 : i32
    %mul3A_1 = arith.constant 512 : i32
    %mul3A_2 = arith.muli %add3A, %mul3A_1 : i32
    "tpu.region"() ({
      %run_scoped3A = tpu.sem_alloc : memref<!tpu.dma_semaphore, #tpu.memory_space<semaphore_mem>>
      %dma_start3A_93 = arith.constant 0 : i32
      %dma_start3A_94 = arith.constant 0 : i32
      %dma_start3A_95 = arith.constant 0 : i32
      %dma_start3A_96 = tpu.memref_slice %arg2[%add3A, %dma_start3A_93, %dma_start3A_94, %dma_start3A_95] : memref<32x20x4x128xi32, #tpu.memory_space<hbm>> -> memref<1x20x4x128xi32, #tpu.memory_space<hbm>>
      %dma_start3A_97 = tpu.memref_squeeze %dma_start3A_96 : memref<1x20x4x128xi32, #tpu.memory_space<hbm>> -> memref<20x4x128xi32, #tpu.memory_space<hbm>>
      %dma_start3A_98 = arith.constant 0 : i32
      %dma_start3A_99 = arith.constant 0 : i32
      %dma_start3A_100 = arith.constant 0 : i32
      %dma_start3A_101 = tpu.memref_slice %arg2[%add3A, %dma_start3A_98, %dma_start3A_99, %dma_start3A_100] : memref<32x20x4x128xi32, #tpu.memory_space<hbm>> -> memref<1x20x4x128xi32, #tpu.memory_space<hbm>>
      %dma_start3A_102 = tpu.memref_squeeze %dma_start3A_101 : memref<1x20x4x128xi32, #tpu.memory_space<hbm>> -> memref<20x4x128xi32, #tpu.memory_space<hbm>>
      tpu.enqueue_dma source(%dma_start3A_102 : memref<20x4x128xi32, #tpu.memory_space<hbm>>) target(%arg5 : memref<20x4x128xi32, #tpu.memory_space<vmem>>) target_semaphore(%run_scoped3A : memref<!tpu.dma_semaphore, #tpu.memory_space<semaphore_mem>>)
      %dma_wait3A_103 = arith.constant 0 : i32
      %dma_wait3A_104 = arith.constant 0 : i32
      %dma_wait3A_105 = arith.constant 0 : i32
      %dma_wait3A_106 = tpu.memref_slice %arg2[%add3A, %dma_wait3A_103, %dma_wait3A_104, %dma_wait3A_105] : memref<32x20x4x128xi32, #tpu.memory_space<hbm>> -> memref<1x20x4x128xi32, #tpu.memory_space<hbm>>
      %dma_wait3A_107 = tpu.memref_squeeze %dma_wait3A_106 : memref<1x20x4x128xi32, #tpu.memory_space<hbm>> -> memref<20x4x128xi32, #tpu.memory_space<hbm>>
      %dma_wait3A_108 = arith.constant 0 : i32
      %dma_wait3A_109 = arith.constant 0 : i32
      %dma_wait3A_110 = arith.constant 0 : i32
      %dma_wait3A_111 = tpu.memref_slice %arg2[%add3A, %dma_wait3A_108, %dma_wait3A_109, %dma_wait3A_110] : memref<32x20x4x128xi32, #tpu.memory_space<hbm>> -> memref<1x20x4x128xi32, #tpu.memory_space<hbm>>
      %dma_wait3A_112 = tpu.memref_squeeze %dma_wait3A_111 : memref<1x20x4x128xi32, #tpu.memory_space<hbm>> -> memref<20x4x128xi32, #tpu.memory_space<hbm>>
      tpu.wait_dma2 semaphore(%run_scoped3A : memref<!tpu.dma_semaphore, #tpu.memory_space<semaphore_mem>>) src(%dma_wait3A_112 : memref<20x4x128xi32, #tpu.memory_space<hbm>>) dst(%arg5 : memref<20x4x128xi32, #tpu.memory_space<vmem>>)
      tpu.yield
    }) : () -> ()
    %dma_start3A = arith.constant 0 : i32
    %dma_start3A_3 = arith.constant 0 : i32
    %dma_start3A_4 = arith.constant 0 : i32
    %dma_start3A_5 = arith.constant 0 : i32
    %dma_start3A_6 = tpu.memref_slice %arg6[%dma_start3A_4, %dma_start3A_5] : memref<512x32xf32, #tpu.memory_space<vmem>> -> memref<128x32xf32, #tpu.memory_space<vmem>>
    %dma_start3A_7 = arith.constant 0 : i32
    %dma_start3A_8 = tpu.memref_slice %arg5[%dma_start3A, %dma_start3A_3, %dma_start3A_7] : memref<20x4x128xi32, #tpu.memory_space<vmem>> -> memref<1x1x128xi32, #tpu.memory_space<vmem>>
    %dma_start3A_9 = tpu.memref_squeeze %dma_start3A_8 : memref<1x1x128xi32, #tpu.memory_space<vmem>> -> memref<128xi32, #tpu.memory_space<vmem>>
    %dma_start3A_10 = arith.constant 0 : i32
    %dma_start3A_11 = arith.constant 0 : i32
    %dma_start3A_12 = tpu.memref_slice %arg3[%dma_start3A_10, %dma_start3A_11] : memref<100001x32xf32, #tpu.memory_space<hbm>> -> memref<100001x32xf32, #tpu.memory_space<hbm>>
    tpu.enqueue_indirect_dma source(%dma_start3A_12 : memref<100001x32xf32, #tpu.memory_space<hbm>>) target(%dma_start3A_6 : memref<128x32xf32, #tpu.memory_space<vmem>>) offsets(%dma_start3A_9 : memref<128xi32, #tpu.memory_space<vmem>>) semaphore(%arg8 : memref<!tpu.dma_semaphore, #tpu.memory_space<semaphore_mem>>)
    %dma_start3A_13 = arith.constant 0 : i32
    %dma_start3A_14 = arith.constant 1 : i32
    %dma_start3A_15 = arith.constant 128 : i32
    %dma_start3A_16 = arith.constant 0 : i32
    %dma_start3A_17 = tpu.memref_slice %arg6[%dma_start3A_15, %dma_start3A_16] : memref<512x32xf32, #tpu.memory_space<vmem>> -> memref<128x32xf32, #tpu.memory_space<vmem>>
    %dma_start3A_18 = arith.constant 0 : i32
    %dma_start3A_19 = tpu.memref_slice %arg5[%dma_start3A_13, %dma_start3A_14, %dma_start3A_18] : memref<20x4x128xi32, #tpu.memory_space<vmem>> -> memref<1x1x128xi32, #tpu.memory_space<vmem>>
    %dma_start3A_20 = tpu.memref_squeeze %dma_start3A_19 : memref<1x1x128xi32, #tpu.memory_space<vmem>> -> memref<128xi32, #tpu.memory_space<vmem>>
    %dma_start3A_21 = arith.constant 0 : i32
    %dma_start3A_22 = arith.constant 0 : i32
    %dma_start3A_23 = tpu.memref_slice %arg3[%dma_start3A_21, %dma_start3A_22] : memref<100001x32xf32, #tpu.memory_space<hbm>> -> memref<100001x32xf32, #tpu.memory_space<hbm>>
    tpu.enqueue_indirect_dma source(%dma_start3A_23 : memref<100001x32xf32, #tpu.memory_space<hbm>>) target(%dma_start3A_17 : memref<128x32xf32, #tpu.memory_space<vmem>>) offsets(%dma_start3A_20 : memref<128xi32, #tpu.memory_space<vmem>>) semaphore(%arg8 : memref<!tpu.dma_semaphore, #tpu.memory_space<semaphore_mem>>)
    %dma_start3A_24 = arith.constant 0 : i32
    %dma_start3A_25 = arith.constant 2 : i32
    %dma_start3A_26 = arith.constant 256 : i32
    %dma_start3A_27 = arith.constant 0 : i32
    %dma_start3A_28 = tpu.memref_slice %arg6[%dma_start3A_26, %dma_start3A_27] : memref<512x32xf32, #tpu.memory_space<vmem>> -> memref<128x32xf32, #tpu.memory_space<vmem>>
    %dma_start3A_29 = arith.constant 0 : i32
    %dma_start3A_30 = tpu.memref_slice %arg5[%dma_start3A_24, %dma_start3A_25, %dma_start3A_29] : memref<20x4x128xi32, #tpu.memory_space<vmem>> -> memref<1x1x128xi32, #tpu.memory_space<vmem>>
    %dma_start3A_31 = tpu.memref_squeeze %dma_start3A_30 : memref<1x1x128xi32, #tpu.memory_space<vmem>> -> memref<128xi32, #tpu.memory_space<vmem>>
    %dma_start3A_32 = arith.constant 0 : i32
    %dma_start3A_33 = arith.constant 0 : i32
    %dma_start3A_34 = tpu.memref_slice %arg3[%dma_start3A_32, %dma_start3A_33] : memref<100001x32xf32, #tpu.memory_space<hbm>> -> memref<100001x32xf32, #tpu.memory_space<hbm>>
    tpu.enqueue_indirect_dma source(%dma_start3A_34 : memref<100001x32xf32, #tpu.memory_space<hbm>>) target(%dma_start3A_28 : memref<128x32xf32, #tpu.memory_space<vmem>>) offsets(%dma_start3A_31 : memref<128xi32, #tpu.memory_space<vmem>>) semaphore(%arg8 : memref<!tpu.dma_semaphore, #tpu.memory_space<semaphore_mem>>)
    %dma_start3A_35 = arith.constant 0 : i32
    %dma_start3A_36 = arith.constant 3 : i32
    %dma_start3A_37 = arith.constant 384 : i32
    %dma_start3A_38 = arith.constant 0 : i32
    %dma_start3A_39 = tpu.memref_slice %arg6[%dma_start3A_37, %dma_start3A_38] : memref<512x32xf32, #tpu.memory_space<vmem>> -> memref<128x32xf32, #tpu.memory_space<vmem>>
    %dma_start3A_40 = arith.constant 0 : i32
    %dma_start3A_41 = tpu.memref_slice %arg5[%dma_start3A_35, %dma_start3A_36, %dma_start3A_40] : memref<20x4x128xi32, #tpu.memory_space<vmem>> -> memref<1x1x128xi32, #tpu.memory_space<vmem>>
    %dma_start3A_42 = tpu.memref_squeeze %dma_start3A_41 : memref<1x1x128xi32, #tpu.memory_space<vmem>> -> memref<128xi32, #tpu.memory_space<vmem>>
    %dma_start3A_43 = arith.constant 0 : i32
    %dma_start3A_44 = arith.constant 0 : i32
    %dma_start3A_45 = tpu.memref_slice %arg3[%dma_start3A_43, %dma_start3A_44] : memref<100001x32xf32, #tpu.memory_space<hbm>> -> memref<100001x32xf32, #tpu.memory_space<hbm>>
    tpu.enqueue_indirect_dma source(%dma_start3A_45 : memref<100001x32xf32, #tpu.memory_space<hbm>>) target(%dma_start3A_39 : memref<128x32xf32, #tpu.memory_space<vmem>>) offsets(%dma_start3A_42 : memref<128xi32, #tpu.memory_space<vmem>>) semaphore(%arg8 : memref<!tpu.dma_semaphore, #tpu.memory_space<semaphore_mem>>)
    %dma_wait3A = arith.constant 0 : i32
    %dma_wait3A_46 = arith.constant 0 : i32
    %dma_wait3A_47 = arith.constant 0 : i32
    %dma_wait3A_48 = arith.constant 0 : i32
    %dma_wait3A_49 = tpu.memref_slice %arg6[%dma_wait3A_47, %dma_wait3A_48] : memref<512x32xf32, #tpu.memory_space<vmem>> -> memref<128x32xf32, #tpu.memory_space<vmem>>
    %dma_wait3A_50 = arith.constant 0 : i32
    %dma_wait3A_51 = tpu.memref_slice %arg5[%dma_wait3A, %dma_wait3A_46, %dma_wait3A_50] : memref<20x4x128xi32, #tpu.memory_space<vmem>> -> memref<1x1x128xi32, #tpu.memory_space<vmem>>
    %dma_wait3A_52 = tpu.memref_squeeze %dma_wait3A_51 : memref<1x1x128xi32, #tpu.memory_space<vmem>> -> memref<128xi32, #tpu.memory_space<vmem>>
    %dma_wait3A_53 = arith.constant 0 : i32
    %dma_wait3A_54 = arith.constant 0 : i32
    %dma_wait3A_55 = tpu.memref_slice %arg3[%dma_wait3A_53, %dma_wait3A_54] : memref<100001x32xf32, #tpu.memory_space<hbm>> -> memref<100001x32xf32, #tpu.memory_space<hbm>>
    tpu.wait_indirect_dma semaphore(%arg8 : memref<!tpu.dma_semaphore, #tpu.memory_space<semaphore_mem>>) src(%dma_wait3A_55 : memref<100001x32xf32, #tpu.memory_space<hbm>>) dst(%dma_wait3A_49 : memref<128x32xf32, #tpu.memory_space<vmem>>)
    %dma_wait3A_56 = arith.constant 0 : i32
    %dma_wait3A_57 = arith.constant 1 : i32
    %dma_wait3A_58 = arith.constant 128 : i32
    %dma_wait3A_59 = arith.constant 0 : i32
    %dma_wait3A_60 = tpu.memref_slice %arg6[%dma_wait3A_58, %dma_wait3A_59] : memref<512x32xf32, #tpu.memory_space<vmem>> -> memref<128x32xf32, #tpu.memory_space<vmem>>
    %dma_wait3A_61 = arith.constant 0 : i32
    %dma_wait3A_62 = tpu.memref_slice %arg5[%dma_wait3A_56, %dma_wait3A_57, %dma_wait3A_61] : memref<20x4x128xi32, #tpu.memory_space<vmem>> -> memref<1x1x128xi32, #tpu.memory_space<vmem>>
    %dma_wait3A_63 = tpu.memref_squeeze %dma_wait3A_62 : memref<1x1x128xi32, #tpu.memory_space<vmem>> -> memref<128xi32, #tpu.memory_space<vmem>>
    %dma_wait3A_64 = arith.constant 0 : i32
    %dma_wait3A_65 = arith.constant 0 : i32
    %dma_wait3A_66 = tpu.memref_slice %arg3[%dma_wait3A_64, %dma_wait3A_65] : memref<100001x32xf32, #tpu.memory_space<hbm>> -> memref<100001x32xf32, #tpu.memory_space<hbm>>
    tpu.wait_indirect_dma semaphore(%arg8 : memref<!tpu.dma_semaphore, #tpu.memory_space<semaphore_mem>>) src(%dma_wait3A_66 : memref<100001x32xf32, #tpu.memory_space<hbm>>) dst(%dma_wait3A_60 : memref<128x32xf32, #tpu.memory_space<vmem>>)
    %dma_wait3A_67 = arith.constant 0 : i32
    %dma_wait3A_68 = arith.constant 2 : i32
    %dma_wait3A_69 = arith.constant 256 : i32
    %dma_wait3A_70 = arith.constant 0 : i32
    %dma_wait3A_71 = tpu.memref_slice %arg6[%dma_wait3A_69, %dma_wait3A_70] : memref<512x32xf32, #tpu.memory_space<vmem>> -> memref<128x32xf32, #tpu.memory_space<vmem>>
    %dma_wait3A_72 = arith.constant 0 : i32
    %dma_wait3A_73 = tpu.memref_slice %arg5[%dma_wait3A_67, %dma_wait3A_68, %dma_wait3A_72] : memref<20x4x128xi32, #tpu.memory_space<vmem>> -> memref<1x1x128xi32, #tpu.memory_space<vmem>>
    %dma_wait3A_74 = tpu.memref_squeeze %dma_wait3A_73 : memref<1x1x128xi32, #tpu.memory_space<vmem>> -> memref<128xi32, #tpu.memory_space<vmem>>
    %dma_wait3A_75 = arith.constant 0 : i32
    %dma_wait3A_76 = arith.constant 0 : i32
    %dma_wait3A_77 = tpu.memref_slice %arg3[%dma_wait3A_75, %dma_wait3A_76] : memref<100001x32xf32, #tpu.memory_space<hbm>> -> memref<100001x32xf32, #tpu.memory_space<hbm>>
    tpu.wait_indirect_dma semaphore(%arg8 : memref<!tpu.dma_semaphore, #tpu.memory_space<semaphore_mem>>) src(%dma_wait3A_77 : memref<100001x32xf32, #tpu.memory_space<hbm>>) dst(%dma_wait3A_71 : memref<128x32xf32, #tpu.memory_space<vmem>>)
    %dma_wait3A_78 = arith.constant 0 : i32
    %dma_wait3A_79 = arith.constant 3 : i32
    %dma_wait3A_80 = arith.constant 384 : i32
    %dma_wait3A_81 = arith.constant 0 : i32
    %dma_wait3A_82 = tpu.memref_slice %arg6[%dma_wait3A_80, %dma_wait3A_81] : memref<512x32xf32, #tpu.memory_space<vmem>> -> memref<128x32xf32, #tpu.memory_space<vmem>>
    %dma_wait3A_83 = arith.constant 0 : i32
    %dma_wait3A_84 = tpu.memref_slice %arg5[%dma_wait3A_78, %dma_wait3A_79, %dma_wait3A_83] : memref<20x4x128xi32, #tpu.memory_space<vmem>> -> memref<1x1x128xi32, #tpu.memory_space<vmem>>
    %dma_wait3A_85 = tpu.memref_squeeze %dma_wait3A_84 : memref<1x1x128xi32, #tpu.memory_space<vmem>> -> memref<128xi32, #tpu.memory_space<vmem>>
    %dma_wait3A_86 = arith.constant 0 : i32
    %dma_wait3A_87 = arith.constant 0 : i32
    %dma_wait3A_88 = tpu.memref_slice %arg3[%dma_wait3A_86, %dma_wait3A_87] : memref<100001x32xf32, #tpu.memory_space<hbm>> -> memref<100001x32xf32, #tpu.memory_space<hbm>>
    tpu.wait_indirect_dma semaphore(%arg8 : memref<!tpu.dma_semaphore, #tpu.memory_space<semaphore_mem>>) src(%dma_wait3A_88 : memref<100001x32xf32, #tpu.memory_space<hbm>>) dst(%dma_wait3A_82 : memref<128x32xf32, #tpu.memory_space<vmem>>)
    %scan3A = arith.constant 0 : i32
    %scan3A_89 = arith.constant 19 : i32
    %scan3A_90 = arith.addi %scan3A, %scan3A_89 : i32
    %scan3A_91 = arith.constant 1 : i32
    scf.for %scan3A_93 = %scan3A to %scan3A_90 step %scan3A_91  : i32 {
      %mul3A_94 = arith.constant 1 : i32
      %mul3A_95 = arith.muli %scan3A_93, %mul3A_94 : i32
      %add3A_96 = arith.constant 1 : i32
      %add3A_97 = arith.addi %add3A_96, %mul3A_95 : i32
      %dma_start3A_98 = arith.constant 0 : i32
      %dma_start3A_99 = arith.constant 0 : i32
      %dma_start3A_100 = arith.constant 0 : i32
      %dma_start3A_101 = tpu.memref_slice %arg7[%dma_start3A_99, %dma_start3A_100] : memref<512x32xf32, #tpu.memory_space<vmem>> -> memref<128x32xf32, #tpu.memory_space<vmem>>
      %dma_start3A_102 = arith.constant 0 : i32
      %dma_start3A_103 = tpu.memref_slice %arg5[%add3A_97, %dma_start3A_98, %dma_start3A_102] : memref<20x4x128xi32, #tpu.memory_space<vmem>> -> memref<1x1x128xi32, #tpu.memory_space<vmem>>
      %dma_start3A_104 = tpu.memref_squeeze %dma_start3A_103 : memref<1x1x128xi32, #tpu.memory_space<vmem>> -> memref<128xi32, #tpu.memory_space<vmem>>
      %dma_start3A_105 = arith.constant 0 : i32
      %dma_start3A_106 = arith.constant 0 : i32
      %dma_start3A_107 = tpu.memref_slice %arg3[%dma_start3A_105, %dma_start3A_106] : memref<100001x32xf32, #tpu.memory_space<hbm>> -> memref<100001x32xf32, #tpu.memory_space<hbm>>
      tpu.enqueue_indirect_dma source(%dma_start3A_107 : memref<100001x32xf32, #tpu.memory_space<hbm>>) target(%dma_start3A_101 : memref<128x32xf32, #tpu.memory_space<vmem>>) offsets(%dma_start3A_104 : memref<128xi32, #tpu.memory_space<vmem>>) semaphore(%arg8 : memref<!tpu.dma_semaphore, #tpu.memory_space<semaphore_mem>>)
      %dma_start3A_108 = arith.constant 1 : i32
      %dma_start3A_109 = arith.constant 128 : i32
      %dma_start3A_110 = arith.constant 0 : i32
      %dma_start3A_111 = tpu.memref_slice %arg7[%dma_start3A_109, %dma_start3A_110] : memref<512x32xf32, #tpu.memory_space<vmem>> -> memref<128x32xf32, #tpu.memory_space<vmem>>
      %dma_start3A_112 = arith.constant 0 : i32
      %dma_start3A_113 = tpu.memref_slice %arg5[%add3A_97, %dma_start3A_108, %dma_start3A_112] : memref<20x4x128xi32, #tpu.memory_space<vmem>> -> memref<1x1x128xi32, #tpu.memory_space<vmem>>
      %dma_start3A_114 = tpu.memref_squeeze %dma_start3A_113 : memref<1x1x128xi32, #tpu.memory_space<vmem>> -> memref<128xi32, #tpu.memory_space<vmem>>
      %dma_start3A_115 = arith.constant 0 : i32
      %dma_start3A_116 = arith.constant 0 : i32
      %dma_start3A_117 = tpu.memref_slice %arg3[%dma_start3A_115, %dma_start3A_116] : memref<100001x32xf32, #tpu.memory_space<hbm>> -> memref<100001x32xf32, #tpu.memory_space<hbm>>
      tpu.enqueue_indirect_dma source(%dma_start3A_117 : memref<100001x32xf32, #tpu.memory_space<hbm>>) target(%dma_start3A_111 : memref<128x32xf32, #tpu.memory_space<vmem>>) offsets(%dma_start3A_114 : memref<128xi32, #tpu.memory_space<vmem>>) semaphore(%arg8 : memref<!tpu.dma_semaphore, #tpu.memory_space<semaphore_mem>>)
      %dma_start3A_118 = arith.constant 2 : i32
      %dma_start3A_119 = arith.constant 256 : i32
      %dma_start3A_120 = arith.constant 0 : i32
      %dma_start3A_121 = tpu.memref_slice %arg7[%dma_start3A_119, %dma_start3A_120] : memref<512x32xf32, #tpu.memory_space<vmem>> -> memref<128x32xf32, #tpu.memory_space<vmem>>
      %dma_start3A_122 = arith.constant 0 : i32
      %dma_start3A_123 = tpu.memref_slice %arg5[%add3A_97, %dma_start3A_118, %dma_start3A_122] : memref<20x4x128xi32, #tpu.memory_space<vmem>> -> memref<1x1x128xi32, #tpu.memory_space<vmem>>
      %dma_start3A_124 = tpu.memref_squeeze %dma_start3A_123 : memref<1x1x128xi32, #tpu.memory_space<vmem>> -> memref<128xi32, #tpu.memory_space<vmem>>
      %dma_start3A_125 = arith.constant 0 : i32
      %dma_start3A_126 = arith.constant 0 : i32
      %dma_start3A_127 = tpu.memref_slice %arg3[%dma_start3A_125, %dma_start3A_126] : memref<100001x32xf32, #tpu.memory_space<hbm>> -> memref<100001x32xf32, #tpu.memory_space<hbm>>
      tpu.enqueue_indirect_dma source(%dma_start3A_127 : memref<100001x32xf32, #tpu.memory_space<hbm>>) target(%dma_start3A_121 : memref<128x32xf32, #tpu.memory_space<vmem>>) offsets(%dma_start3A_124 : memref<128xi32, #tpu.memory_space<vmem>>) semaphore(%arg8 : memref<!tpu.dma_semaphore, #tpu.memory_space<semaphore_mem>>)
      %dma_start3A_128 = arith.constant 3 : i32
      %dma_start3A_129 = arith.constant 384 : i32
      %dma_start3A_130 = arith.constant 0 : i32
      %dma_start3A_131 = tpu.memref_slice %arg7[%dma_start3A_129, %dma_start3A_130] : memref<512x32xf32, #tpu.memory_space<vmem>> -> memref<128x32xf32, #tpu.memory_space<vmem>>
      %dma_start3A_132 = arith.constant 0 : i32
      %dma_start3A_133 = tpu.memref_slice %arg5[%add3A_97, %dma_start3A_128, %dma_start3A_132] : memref<20x4x128xi32, #tpu.memory_space<vmem>> -> memref<1x1x128xi32, #tpu.memory_space<vmem>>
      %dma_start3A_134 = tpu.memref_squeeze %dma_start3A_133 : memref<1x1x128xi32, #tpu.memory_space<vmem>> -> memref<128xi32, #tpu.memory_space<vmem>>
      %dma_start3A_135 = arith.constant 0 : i32
      %dma_start3A_136 = arith.constant 0 : i32
      %dma_start3A_137 = tpu.memref_slice %arg3[%dma_start3A_135, %dma_start3A_136] : memref<100001x32xf32, #tpu.memory_space<hbm>> -> memref<100001x32xf32, #tpu.memory_space<hbm>>
      tpu.enqueue_indirect_dma source(%dma_start3A_137 : memref<100001x32xf32, #tpu.memory_space<hbm>>) target(%dma_start3A_131 : memref<128x32xf32, #tpu.memory_space<vmem>>) offsets(%dma_start3A_134 : memref<128xi32, #tpu.memory_space<vmem>>) semaphore(%arg8 : memref<!tpu.dma_semaphore, #tpu.memory_space<semaphore_mem>>)
      %dma_wait3A_138 = arith.constant 0 : i32
      %dma_wait3A_139 = arith.constant 0 : i32
      %dma_wait3A_140 = arith.constant 0 : i32
      %dma_wait3A_141 = tpu.memref_slice %arg7[%dma_wait3A_139, %dma_wait3A_140] : memref<512x32xf32, #tpu.memory_space<vmem>> -> memref<128x32xf32, #tpu.memory_space<vmem>>
      %dma_wait3A_142 = arith.constant 0 : i32
      %dma_wait3A_143 = tpu.memref_slice %arg5[%add3A_97, %dma_wait3A_138, %dma_wait3A_142] : memref<20x4x128xi32, #tpu.memory_space<vmem>> -> memref<1x1x128xi32, #tpu.memory_space<vmem>>
      %dma_wait3A_144 = tpu.memref_squeeze %dma_wait3A_143 : memref<1x1x128xi32, #tpu.memory_space<vmem>> -> memref<128xi32, #tpu.memory_space<vmem>>
      %dma_wait3A_145 = arith.constant 0 : i32
      %dma_wait3A_146 = arith.constant 0 : i32
      %dma_wait3A_147 = tpu.memref_slice %arg3[%dma_wait3A_145, %dma_wait3A_146] : memref<100001x32xf32, #tpu.memory_space<hbm>> -> memref<100001x32xf32, #tpu.memory_space<hbm>>
      tpu.wait_indirect_dma semaphore(%arg8 : memref<!tpu.dma_semaphore, #tpu.memory_space<semaphore_mem>>) src(%dma_wait3A_147 : memref<100001x32xf32, #tpu.memory_space<hbm>>) dst(%dma_wait3A_141 : memref<128x32xf32, #tpu.memory_space<vmem>>)
      %dma_wait3A_148 = arith.constant 1 : i32
      %dma_wait3A_149 = arith.constant 128 : i32
      %dma_wait3A_150 = arith.constant 0 : i32
      %dma_wait3A_151 = tpu.memref_slice %arg7[%dma_wait3A_149, %dma_wait3A_150] : memref<512x32xf32, #tpu.memory_space<vmem>> -> memref<128x32xf32, #tpu.memory_space<vmem>>
      %dma_wait3A_152 = arith.constant 0 : i32
      %dma_wait3A_153 = tpu.memref_slice %arg5[%add3A_97, %dma_wait3A_148, %dma_wait3A_152] : memref<20x4x128xi32, #tpu.memory_space<vmem>> -> memref<1x1x128xi32, #tpu.memory_space<vmem>>
      %dma_wait3A_154 = tpu.memref_squeeze %dma_wait3A_153 : memref<1x1x128xi32, #tpu.memory_space<vmem>> -> memref<128xi32, #tpu.memory_space<vmem>>
      %dma_wait3A_155 = arith.constant 0 : i32
      %dma_wait3A_156 = arith.constant 0 : i32
      %dma_wait3A_157 = tpu.memref_slice %arg3[%dma_wait3A_155, %dma_wait3A_156] : memref<100001x32xf32, #tpu.memory_space<hbm>> -> memref<100001x32xf32, #tpu.memory_space<hbm>>
      tpu.wait_indirect_dma semaphore(%arg8 : memref<!tpu.dma_semaphore, #tpu.memory_space<semaphore_mem>>) src(%dma_wait3A_157 : memref<100001x32xf32, #tpu.memory_space<hbm>>) dst(%dma_wait3A_151 : memref<128x32xf32, #tpu.memory_space<vmem>>)
      %dma_wait3A_158 = arith.constant 2 : i32
      %dma_wait3A_159 = arith.constant 256 : i32
      %dma_wait3A_160 = arith.constant 0 : i32
      %dma_wait3A_161 = tpu.memref_slice %arg7[%dma_wait3A_159, %dma_wait3A_160] : memref<512x32xf32, #tpu.memory_space<vmem>> -> memref<128x32xf32, #tpu.memory_space<vmem>>
      %dma_wait3A_162 = arith.constant 0 : i32
      %dma_wait3A_163 = tpu.memref_slice %arg5[%add3A_97, %dma_wait3A_158, %dma_wait3A_162] : memref<20x4x128xi32, #tpu.memory_space<vmem>> -> memref<1x1x128xi32, #tpu.memory_space<vmem>>
      %dma_wait3A_164 = tpu.memref_squeeze %dma_wait3A_163 : memref<1x1x128xi32, #tpu.memory_space<vmem>> -> memref<128xi32, #tpu.memory_space<vmem>>
      %dma_wait3A_165 = arith.constant 0 : i32
      %dma_wait3A_166 = arith.constant 0 : i32
      %dma_wait3A_167 = tpu.memref_slice %arg3[%dma_wait3A_165, %dma_wait3A_166] : memref<100001x32xf32, #tpu.memory_space<hbm>> -> memref<100001x32xf32, #tpu.memory_space<hbm>>
      tpu.wait_indirect_dma semaphore(%arg8 : memref<!tpu.dma_semaphore, #tpu.memory_space<semaphore_mem>>) src(%dma_wait3A_167 : memref<100001x32xf32, #tpu.memory_space<hbm>>) dst(%dma_wait3A_161 : memref<128x32xf32, #tpu.memory_space<vmem>>)
      %dma_wait3A_168 = arith.constant 3 : i32
      %dma_wait3A_169 = arith.constant 384 : i32
      %dma_wait3A_170 = arith.constant 0 : i32
      %dma_wait3A_171 = tpu.memref_slice %arg7[%dma_wait3A_169, %dma_wait3A_170] : memref<512x32xf32, #tpu.memory_space<vmem>> -> memref<128x32xf32, #tpu.memory_space<vmem>>
      %dma_wait3A_172 = arith.constant 0 : i32
      %dma_wait3A_173 = tpu.memref_slice %arg5[%add3A_97, %dma_wait3A_168, %dma_wait3A_172] : memref<20x4x128xi32, #tpu.memory_space<vmem>> -> memref<1x1x128xi32, #tpu.memory_space<vmem>>
      %dma_wait3A_174 = tpu.memref_squeeze %dma_wait3A_173 : memref<1x1x128xi32, #tpu.memory_space<vmem>> -> memref<128xi32, #tpu.memory_space<vmem>>
      %dma_wait3A_175 = arith.constant 0 : i32
      %dma_wait3A_176 = arith.constant 0 : i32
      %dma_wait3A_177 = tpu.memref_slice %arg3[%dma_wait3A_175, %dma_wait3A_176] : memref<100001x32xf32, #tpu.memory_space<hbm>> -> memref<100001x32xf32, #tpu.memory_space<hbm>>
      tpu.wait_indirect_dma semaphore(%arg8 : memref<!tpu.dma_semaphore, #tpu.memory_space<semaphore_mem>>) src(%dma_wait3A_177 : memref<100001x32xf32, #tpu.memory_space<hbm>>) dst(%dma_wait3A_171 : memref<128x32xf32, #tpu.memory_space<vmem>>)
      %scan3A_178 = arith.constant 0 : i32
      %scan3A_179 = arith.constant 512 : i32
      %scan3A_180 = arith.addi %scan3A_178, %scan3A_179 : i32
      %scan3A_181 = arith.constant 4 : i32
      scf.for %scan3A_183 = %scan3A_178 to %scan3A_180 step %scan3A_181  : i32 {
        %mul3A_184 = arith.constant 1 : i32
        %mul3A_185 = arith.muli %scan3A_183, %mul3A_184 : i32
        %add3A_186 = arith.constant 0 : i32
        %add3A_187 = arith.addi %add3A_186, %mul3A_185 : i32
        %get3A = arith.index_cast %add3A_187 : i32 to index
        %get3A_188 = arith.constant 0 : index
        %get3A_189 = tpu.vector_load %arg7[%get3A, %get3A_188] {strides = array<i32>} : memref<512x32xf32, #tpu.memory_space<vmem>>, vector<1x16xf32>,
        %get3A_190 = vector.shape_cast %get3A_189 : vector<1x16xf32> to vector<16xf32>
        %swap3A = arith.index_cast %add3A_187 : i32 to index
        %swap3A_191 = arith.constant 0 : index
        %swap3A_192 = tpu.vector_load %arg6[%swap3A, %swap3A_191] {strides = array<i32>} : memref<512x32xf32, #tpu.memory_space<vmem>>, vector<1x16xf32>,
        %swap3A_193 = vector.shape_cast %swap3A_192 : vector<1x16xf32> to vector<16xf32>
        %swap3A_194 = vector.shape_cast %get3A_190 : vector<16xf32> to vector<1x16xf32>
        tpu.vector_store %arg6[%swap3A, %swap3A_191], %swap3A_194 {add = true, strides = array<i32>} : memref<512x32xf32, #tpu.memory_space<vmem>>, vector<1x16xf32>,
        %get3A_195 = arith.index_cast %add3A_187 : i32 to index
        %get3A_196 = arith.constant 16 : index
        %get3A_197 = tpu.vector_load %arg7[%get3A_195, %get3A_196] {strides = array<i32>} : memref<512x32xf32, #tpu.memory_space<vmem>>, vector<1x16xf32>,
        %get3A_198 = vector.shape_cast %get3A_197 : vector<1x16xf32> to vector<16xf32>
        %swap3A_199 = arith.index_cast %add3A_187 : i32 to index
        %swap3A_200 = arith.constant 16 : index
        %swap3A_201 = tpu.vector_load %arg6[%swap3A_199, %swap3A_200] {strides = array<i32>} : memref<512x32xf32, #tpu.memory_space<vmem>>, vector<1x16xf32>,
        %swap3A_202 = vector.shape_cast %swap3A_201 : vector<1x16xf32> to vector<16xf32>
        %swap3A_203 = vector.shape_cast %get3A_198 : vector<16xf32> to vector<1x16xf32>
        tpu.vector_store %arg6[%swap3A_199, %swap3A_200], %swap3A_203 {add = true, strides = array<i32>} : memref<512x32xf32, #tpu.memory_space<vmem>>, vector<1x16xf32>,
        %scan3A_204 = arith.constant 1 : i32
        %scan3A_205 = arith.addi %scan3A_183, %scan3A_204 : i32
        %mul3A_206 = arith.constant 1 : i32
        %mul3A_207 = arith.muli %scan3A_205, %mul3A_206 : i32
        %add3A_208 = arith.constant 0 : i32
        %add3A_209 = arith.addi %add3A_208, %mul3A_207 : i32
        %get3A_210 = arith.index_cast %add3A_209 : i32 to index
        %get3A_211 = arith.constant 0 : index
        %get3A_212 = tpu.vector_load %arg7[%get3A_210, %get3A_211] {strides = array<i32>} : memref<512x32xf32, #tpu.memory_space<vmem>>, vector<1x16xf32>,
        %get3A_213 = vector.shape_cast %get3A_212 : vector<1x16xf32> to vector<16xf32>
        %swap3A_214 = arith.index_cast %add3A_209 : i32 to index
        %swap3A_215 = arith.constant 0 : index
        %swap3A_216 = tpu.vector_load %arg6[%swap3A_214, %swap3A_215] {strides = array<i32>} : memref<512x32xf32, #tpu.memory_space<vmem>>, vector<1x16xf32>,
        %swap3A_217 = vector.shape_cast %swap3A_216 : vector<1x16xf32> to vector<16xf32>
        %swap3A_218 = vector.shape_cast %get3A_213 : vector<16xf32> to vector<1x16xf32>
        tpu.vector_store %arg6[%swap3A_214, %swap3A_215], %swap3A_218 {add = true, strides = array<i32>} : memref<512x32xf32, #tpu.memory_space<vmem>>, vector<1x16xf32>,
        %get3A_219 = arith.index_cast %add3A_209 : i32 to index
        %get3A_220 = arith.constant 16 : index
        %get3A_221 = tpu.vector_load %arg7[%get3A_219, %get3A_220] {strides = array<i32>} : memref<512x32xf32, #tpu.memory_space<vmem>>, vector<1x16xf32>,
        %get3A_222 = vector.shape_cast %get3A_221 : vector<1x16xf32> to vector<16xf32>
        %swap3A_223 = arith.index_cast %add3A_209 : i32 to index
        %swap3A_224 = arith.constant 16 : index
        %swap3A_225 = tpu.vector_load %arg6[%swap3A_223, %swap3A_224] {strides = array<i32>} : memref<512x32xf32, #tpu.memory_space<vmem>>, vector<1x16xf32>,
        %swap3A_226 = vector.shape_cast %swap3A_225 : vector<1x16xf32> to vector<16xf32>
        %swap3A_227 = vector.shape_cast %get3A_222 : vector<16xf32> to vector<1x16xf32>
        tpu.vector_store %arg6[%swap3A_223, %swap3A_224], %swap3A_227 {add = true, strides = array<i32>} : memref<512x32xf32, #tpu.memory_space<vmem>>, vector<1x16xf32>,
        %scan3A_228 = arith.constant 2 : i32
        %scan3A_229 = arith.addi %scan3A_183, %scan3A_228 : i32
        %mul3A_230 = arith.constant 1 : i32
        %mul3A_231 = arith.muli %scan3A_229, %mul3A_230 : i32
        %add3A_232 = arith.constant 0 : i32
        %add3A_233 = arith.addi %add3A_232, %mul3A_231 : i32
        %get3A_234 = arith.index_cast %add3A_233 : i32 to index
        %get3A_235 = arith.constant 0 : index
        %get3A_236 = tpu.vector_load %arg7[%get3A_234, %get3A_235] {strides = array<i32>} : memref<512x32xf32, #tpu.memory_space<vmem>>, vector<1x16xf32>,
        %get3A_237 = vector.shape_cast %get3A_236 : vector<1x16xf32> to vector<16xf32>
        %swap3A_238 = arith.index_cast %add3A_233 : i32 to index
        %swap3A_239 = arith.constant 0 : index
        %swap3A_240 = tpu.vector_load %arg6[%swap3A_238, %swap3A_239] {strides = array<i32>} : memref<512x32xf32, #tpu.memory_space<vmem>>, vector<1x16xf32>,
        %swap3A_241 = vector.shape_cast %swap3A_240 : vector<1x16xf32> to vector<16xf32>
        %swap3A_242 = vector.shape_cast %get3A_237 : vector<16xf32> to vector<1x16xf32>
        tpu.vector_store %arg6[%swap3A_238, %swap3A_239], %swap3A_242 {add = true, strides = array<i32>} : memref<512x32xf32, #tpu.memory_space<vmem>>, vector<1x16xf32>,
        %get3A_243 = arith.index_cast %add3A_233 : i32 to index
        %get3A_244 = arith.constant 16 : index
        %get3A_245 = tpu.vector_load %arg7[%get3A_243, %get3A_244] {strides = array<i32>} : memref<512x32xf32, #tpu.memory_space<vmem>>, vector<1x16xf32>,
        %get3A_246 = vector.shape_cast %get3A_245 : vector<1x16xf32> to vector<16xf32>
        %swap3A_247 = arith.index_cast %add3A_233 : i32 to index
        %swap3A_248 = arith.constant 16 : index
        %swap3A_249 = tpu.vector_load %arg6[%swap3A_247, %swap3A_248] {strides = array<i32>} : memref<512x32xf32, #tpu.memory_space<vmem>>, vector<1x16xf32>,
        %swap3A_250 = vector.shape_cast %swap3A_249 : vector<1x16xf32> to vector<16xf32>
        %swap3A_251 = vector.shape_cast %get3A_246 : vector<16xf32> to vector<1x16xf32>
        tpu.vector_store %arg6[%swap3A_247, %swap3A_248], %swap3A_251 {add = true, strides = array<i32>} : memref<512x32xf32, #tpu.memory_space<vmem>>, vector<1x16xf32>,
        %scan3A_252 = arith.constant 3 : i32
        %scan3A_253 = arith.addi %scan3A_183, %scan3A_252 : i32
        %mul3A_254 = arith.constant 1 : i32
        %mul3A_255 = arith.muli %scan3A_253, %mul3A_254 : i32
        %add3A_256 = arith.constant 0 : i32
        %add3A_257 = arith.addi %add3A_256, %mul3A_255 : i32
        %get3A_258 = arith.index_cast %add3A_257 : i32 to index
        %get3A_259 = arith.constant 0 : index
        %get3A_260 = tpu.vector_load %arg7[%get3A_258, %get3A_259] {strides = array<i32>} : memref<512x32xf32, #tpu.memory_space<vmem>>, vector<1x16xf32>,
        %get3A_261 = vector.shape_cast %get3A_260 : vector<1x16xf32> to vector<16xf32>
        %swap3A_262 = arith.index_cast %add3A_257 : i32 to index
        %swap3A_263 = arith.constant 0 : index
        %swap3A_264 = tpu.vector_load %arg6[%swap3A_262, %swap3A_263] {strides = array<i32>} : memref<512x32xf32, #tpu.memory_space<vmem>>, vector<1x16xf32>,
        %swap3A_265 = vector.shape_cast %swap3A_264 : vector<1x16xf32> to vector<16xf32>
        %swap3A_266 = vector.shape_cast %get3A_261 : vector<16xf32> to vector<1x16xf32>
        tpu.vector_store %arg6[%swap3A_262, %swap3A_263], %swap3A_266 {add = true, strides = array<i32>} : memref<512x32xf32, #tpu.memory_space<vmem>>, vector<1x16xf32>,
        %get3A_267 = arith.index_cast %add3A_257 : i32 to index
        %get3A_268 = arith.constant 16 : index
        %get3A_269 = tpu.vector_load %arg7[%get3A_267, %get3A_268] {strides = array<i32>} : memref<512x32xf32, #tpu.memory_space<vmem>>, vector<1x16xf32>,
        %get3A_270 = vector.shape_cast %get3A_269 : vector<1x16xf32> to vector<16xf32>
        %swap3A_271 = arith.index_cast %add3A_257 : i32 to index
        %swap3A_272 = arith.constant 16 : index
        %swap3A_273 = tpu.vector_load %arg6[%swap3A_271, %swap3A_272] {strides = array<i32>} : memref<512x32xf32, #tpu.memory_space<vmem>>, vector<1x16xf32>,
        %swap3A_274 = vector.shape_cast %swap3A_273 : vector<1x16xf32> to vector<16xf32>
        %swap3A_275 = vector.shape_cast %get3A_270 : vector<16xf32> to vector<1x16xf32>
        tpu.vector_store %arg6[%swap3A_271, %swap3A_272], %swap3A_275 {add = true, strides = array<i32>} : memref<512x32xf32, #tpu.memory_space<vmem>>, vector<1x16xf32>,
      }
      %scan3A_182 = arith.constant 512 : i32
    }
    %scan3A_92 = arith.constant 19 : i32
    "tpu.region"() ({
      %run_scoped3A = tpu.sem_alloc : memref<!tpu.dma_semaphore, #tpu.memory_space<semaphore_mem>>
      %dma_start3A_93 = arith.constant 0 : i32
      %dma_start3A_94 = tpu.memref_slice %arg4[%mul3A_2, %dma_start3A_93] : memref<16384x32xf32, #tpu.memory_space<hbm>> -> memref<512x32xf32, #tpu.memory_space<hbm>>
      %dma_start3A_95 = arith.constant 0 : i32
      %dma_start3A_96 = tpu.memref_slice %arg4[%mul3A_2, %dma_start3A_95] : memref<16384x32xf32, #tpu.memory_space<hbm>> -> memref<512x32xf32, #tpu.memory_space<hbm>>
      tpu.enqueue_dma source(%arg6 : memref<512x32xf32, #tpu.memory_space<vmem>>) target(%dma_start3A_96 : memref<512x32xf32, #tpu.memory_space<hbm>>) target_semaphore(%run_scoped3A : memref<!tpu.dma_semaphore, #tpu.memory_space<semaphore_mem>>)
      %dma_wait3A_97 = arith.constant 0 : i32
      %dma_wait3A_98 = tpu.memref_slice %arg4[%mul3A_2, %dma_wait3A_97] : memref<16384x32xf32, #tpu.memory_space<hbm>> -> memref<512x32xf32, #tpu.memory_space<hbm>>
      %dma_wait3A_99 = arith.constant 0 : i32
      %dma_wait3A_100 = tpu.memref_slice %arg4[%mul3A_2, %dma_wait3A_99] : memref<16384x32xf32, #tpu.memory_space<hbm>> -> memref<512x32xf32, #tpu.memory_space<hbm>>
      tpu.wait_dma2 semaphore(%run_scoped3A : memref<!tpu.dma_semaphore, #tpu.memory_space<semaphore_mem>>) src(%arg6 : memref<512x32xf32, #tpu.memory_space<vmem>>) dst(%dma_wait3A_100 : memref<512x32xf32, #tpu.memory_space<hbm>>)
      tpu.yield
    }) : () -> ()
    return
  }
}

#map = affine_map<(d0, d1) -> (0, 0, 0)>
#map1 = affine_map<(d0, d1) -> (0, 0)>
module attributes {stable_mosaic.version = 14 : i64} {
  func.func @k(%arg0: i32, %arg1: i32, %arg2: memref<32x4x128xi32, #tpu.memory_space<hbm>>, %arg3: memref<249984x128xf32, #tpu.memory_space<hbm>>, %arg4: memref<16384x128xf32, #tpu.memory_space<hbm>>, %arg5: memref<4x128xi32, #tpu.memory_space<vmem>>, %arg6: memref<512x128xf32, #tpu.memory_space<vmem>>, %arg7: memref<!tpu.dma_semaphore, #tpu.memory_space<semaphore_mem>>) attributes {dimension_semantics = [#tpu.dimension_semantics<core_parallel>, #tpu.dimension_semantics<subcore_parallel>], iteration_bounds = array<i64: 2, 16>, scalar_prefetch = 0 : i64, scratch_operands = 3 : i64, tpu.core_type = #tpu.core_type<sc_vector_subcore>, window_params = [{transform_indices = #map}, {transform_indices = #map1}, {transform_indices = #map1}]} {
    %mul3A = arith.constant 2 : i32
    %mul3A_0 = arith.muli %arg1, %mul3A : i32
    %add3A = arith.addi %mul3A_0, %arg0 : i32
    %mul3A_1 = arith.constant 512 : i32
    %mul3A_2 = arith.muli %add3A, %mul3A_1 : i32
    "tpu.region"() ({
      %run_scoped3A = tpu.sem_alloc : memref<!tpu.dma_semaphore, #tpu.memory_space<semaphore_mem>>
      %dma_start3A_81 = arith.constant 0 : i32
      %dma_start3A_82 = arith.constant 0 : i32
      %dma_start3A_83 = tpu.memref_slice %arg2[%add3A, %dma_start3A_81, %dma_start3A_82] : memref<32x4x128xi32, #tpu.memory_space<hbm>> -> memref<1x4x128xi32, #tpu.memory_space<hbm>>
      %dma_start3A_84 = tpu.memref_squeeze %dma_start3A_83 : memref<1x4x128xi32, #tpu.memory_space<hbm>> -> memref<4x128xi32, #tpu.memory_space<hbm>>
      %dma_start3A_85 = arith.constant 0 : i32
      %dma_start3A_86 = arith.constant 0 : i32
      %dma_start3A_87 = tpu.memref_slice %arg2[%add3A, %dma_start3A_85, %dma_start3A_86] : memref<32x4x128xi32, #tpu.memory_space<hbm>> -> memref<1x4x128xi32, #tpu.memory_space<hbm>>
      %dma_start3A_88 = tpu.memref_squeeze %dma_start3A_87 : memref<1x4x128xi32, #tpu.memory_space<hbm>> -> memref<4x128xi32, #tpu.memory_space<hbm>>
      tpu.enqueue_dma source(%dma_start3A_88 : memref<4x128xi32, #tpu.memory_space<hbm>>) target(%arg5 : memref<4x128xi32, #tpu.memory_space<vmem>>) target_semaphore(%run_scoped3A : memref<!tpu.dma_semaphore, #tpu.memory_space<semaphore_mem>>)
      %dma_wait3A_89 = arith.constant 0 : i32
      %dma_wait3A_90 = arith.constant 0 : i32
      %dma_wait3A_91 = tpu.memref_slice %arg2[%add3A, %dma_wait3A_89, %dma_wait3A_90] : memref<32x4x128xi32, #tpu.memory_space<hbm>> -> memref<1x4x128xi32, #tpu.memory_space<hbm>>
      %dma_wait3A_92 = tpu.memref_squeeze %dma_wait3A_91 : memref<1x4x128xi32, #tpu.memory_space<hbm>> -> memref<4x128xi32, #tpu.memory_space<hbm>>
      %dma_wait3A_93 = arith.constant 0 : i32
      %dma_wait3A_94 = arith.constant 0 : i32
      %dma_wait3A_95 = tpu.memref_slice %arg2[%add3A, %dma_wait3A_93, %dma_wait3A_94] : memref<32x4x128xi32, #tpu.memory_space<hbm>> -> memref<1x4x128xi32, #tpu.memory_space<hbm>>
      %dma_wait3A_96 = tpu.memref_squeeze %dma_wait3A_95 : memref<1x4x128xi32, #tpu.memory_space<hbm>> -> memref<4x128xi32, #tpu.memory_space<hbm>>
      tpu.wait_dma2 semaphore(%run_scoped3A : memref<!tpu.dma_semaphore, #tpu.memory_space<semaphore_mem>>) src(%dma_wait3A_96 : memref<4x128xi32, #tpu.memory_space<hbm>>) dst(%arg5 : memref<4x128xi32, #tpu.memory_space<vmem>>)
      tpu.yield
    }) : () -> ()
    %dma_start3A = arith.constant 0 : i32
    %dma_start3A_3 = arith.constant 0 : i32
    %dma_start3A_4 = arith.constant 0 : i32
    %dma_start3A_5 = tpu.memref_slice %arg6[%dma_start3A_3, %dma_start3A_4] : memref<512x128xf32, #tpu.memory_space<vmem>> -> memref<128x128xf32, #tpu.memory_space<vmem>>
    %dma_start3A_6 = arith.constant 0 : i32
    %dma_start3A_7 = tpu.memref_slice %arg5[%dma_start3A, %dma_start3A_6] : memref<4x128xi32, #tpu.memory_space<vmem>> -> memref<1x128xi32, #tpu.memory_space<vmem>>
    %dma_start3A_8 = tpu.memref_squeeze %dma_start3A_7 : memref<1x128xi32, #tpu.memory_space<vmem>> -> memref<128xi32, #tpu.memory_space<vmem>>
    %dma_start3A_9 = arith.constant 0 : i32
    %dma_start3A_10 = arith.constant 0 : i32
    %dma_start3A_11 = tpu.memref_slice %arg3[%dma_start3A_9, %dma_start3A_10] : memref<249984x128xf32, #tpu.memory_space<hbm>> -> memref<249984x128xf32, #tpu.memory_space<hbm>>
    tpu.enqueue_indirect_dma source(%dma_start3A_11 : memref<249984x128xf32, #tpu.memory_space<hbm>>) target(%dma_start3A_5 : memref<128x128xf32, #tpu.memory_space<vmem>>) offsets(%dma_start3A_8 : memref<128xi32, #tpu.memory_space<vmem>>) semaphore(%arg7 : memref<!tpu.dma_semaphore, #tpu.memory_space<semaphore_mem>>)
    %dma_start3A_12 = arith.constant 1 : i32
    %dma_start3A_13 = arith.constant 128 : i32
    %dma_start3A_14 = arith.constant 0 : i32
    %dma_start3A_15 = tpu.memref_slice %arg6[%dma_start3A_13, %dma_start3A_14] : memref<512x128xf32, #tpu.memory_space<vmem>> -> memref<128x128xf32, #tpu.memory_space<vmem>>
    %dma_start3A_16 = arith.constant 0 : i32
    %dma_start3A_17 = tpu.memref_slice %arg5[%dma_start3A_12, %dma_start3A_16] : memref<4x128xi32, #tpu.memory_space<vmem>> -> memref<1x128xi32, #tpu.memory_space<vmem>>
    %dma_start3A_18 = tpu.memref_squeeze %dma_start3A_17 : memref<1x128xi32, #tpu.memory_space<vmem>> -> memref<128xi32, #tpu.memory_space<vmem>>
    %dma_start3A_19 = arith.constant 0 : i32
    %dma_start3A_20 = arith.constant 0 : i32
    %dma_start3A_21 = tpu.memref_slice %arg3[%dma_start3A_19, %dma_start3A_20] : memref<249984x128xf32, #tpu.memory_space<hbm>> -> memref<249984x128xf32, #tpu.memory_space<hbm>>
    tpu.enqueue_indirect_dma source(%dma_start3A_21 : memref<249984x128xf32, #tpu.memory_space<hbm>>) target(%dma_start3A_15 : memref<128x128xf32, #tpu.memory_space<vmem>>) offsets(%dma_start3A_18 : memref<128xi32, #tpu.memory_space<vmem>>) semaphore(%arg7 : memref<!tpu.dma_semaphore, #tpu.memory_space<semaphore_mem>>)
    %dma_start3A_22 = arith.constant 2 : i32
    %dma_start3A_23 = arith.constant 256 : i32
    %dma_start3A_24 = arith.constant 0 : i32
    %dma_start3A_25 = tpu.memref_slice %arg6[%dma_start3A_23, %dma_start3A_24] : memref<512x128xf32, #tpu.memory_space<vmem>> -> memref<128x128xf32, #tpu.memory_space<vmem>>
    %dma_start3A_26 = arith.constant 0 : i32
    %dma_start3A_27 = tpu.memref_slice %arg5[%dma_start3A_22, %dma_start3A_26] : memref<4x128xi32, #tpu.memory_space<vmem>> -> memref<1x128xi32, #tpu.memory_space<vmem>>
    %dma_start3A_28 = tpu.memref_squeeze %dma_start3A_27 : memref<1x128xi32, #tpu.memory_space<vmem>> -> memref<128xi32, #tpu.memory_space<vmem>>
    %dma_start3A_29 = arith.constant 0 : i32
    %dma_start3A_30 = arith.constant 0 : i32
    %dma_start3A_31 = tpu.memref_slice %arg3[%dma_start3A_29, %dma_start3A_30] : memref<249984x128xf32, #tpu.memory_space<hbm>> -> memref<249984x128xf32, #tpu.memory_space<hbm>>
    tpu.enqueue_indirect_dma source(%dma_start3A_31 : memref<249984x128xf32, #tpu.memory_space<hbm>>) target(%dma_start3A_25 : memref<128x128xf32, #tpu.memory_space<vmem>>) offsets(%dma_start3A_28 : memref<128xi32, #tpu.memory_space<vmem>>) semaphore(%arg7 : memref<!tpu.dma_semaphore, #tpu.memory_space<semaphore_mem>>)
    %dma_start3A_32 = arith.constant 3 : i32
    %dma_start3A_33 = arith.constant 384 : i32
    %dma_start3A_34 = arith.constant 0 : i32
    %dma_start3A_35 = tpu.memref_slice %arg6[%dma_start3A_33, %dma_start3A_34] : memref<512x128xf32, #tpu.memory_space<vmem>> -> memref<128x128xf32, #tpu.memory_space<vmem>>
    %dma_start3A_36 = arith.constant 0 : i32
    %dma_start3A_37 = tpu.memref_slice %arg5[%dma_start3A_32, %dma_start3A_36] : memref<4x128xi32, #tpu.memory_space<vmem>> -> memref<1x128xi32, #tpu.memory_space<vmem>>
    %dma_start3A_38 = tpu.memref_squeeze %dma_start3A_37 : memref<1x128xi32, #tpu.memory_space<vmem>> -> memref<128xi32, #tpu.memory_space<vmem>>
    %dma_start3A_39 = arith.constant 0 : i32
    %dma_start3A_40 = arith.constant 0 : i32
    %dma_start3A_41 = tpu.memref_slice %arg3[%dma_start3A_39, %dma_start3A_40] : memref<249984x128xf32, #tpu.memory_space<hbm>> -> memref<249984x128xf32, #tpu.memory_space<hbm>>
    tpu.enqueue_indirect_dma source(%dma_start3A_41 : memref<249984x128xf32, #tpu.memory_space<hbm>>) target(%dma_start3A_35 : memref<128x128xf32, #tpu.memory_space<vmem>>) offsets(%dma_start3A_38 : memref<128xi32, #tpu.memory_space<vmem>>) semaphore(%arg7 : memref<!tpu.dma_semaphore, #tpu.memory_space<semaphore_mem>>)
    %dma_wait3A = arith.constant 0 : i32
    %dma_wait3A_42 = arith.constant 0 : i32
    %dma_wait3A_43 = arith.constant 0 : i32
    %dma_wait3A_44 = tpu.memref_slice %arg6[%dma_wait3A_42, %dma_wait3A_43] : memref<512x128xf32, #tpu.memory_space<vmem>> -> memref<128x128xf32, #tpu.memory_space<vmem>>
    %dma_wait3A_45 = arith.constant 0 : i32
    %dma_wait3A_46 = tpu.memref_slice %arg5[%dma_wait3A, %dma_wait3A_45] : memref<4x128xi32, #tpu.memory_space<vmem>> -> memref<1x128xi32, #tpu.memory_space<vmem>>
    %dma_wait3A_47 = tpu.memref_squeeze %dma_wait3A_46 : memref<1x128xi32, #tpu.memory_space<vmem>> -> memref<128xi32, #tpu.memory_space<vmem>>
    %dma_wait3A_48 = arith.constant 0 : i32
    %dma_wait3A_49 = arith.constant 0 : i32
    %dma_wait3A_50 = tpu.memref_slice %arg3[%dma_wait3A_48, %dma_wait3A_49] : memref<249984x128xf32, #tpu.memory_space<hbm>> -> memref<249984x128xf32, #tpu.memory_space<hbm>>
    tpu.wait_indirect_dma semaphore(%arg7 : memref<!tpu.dma_semaphore, #tpu.memory_space<semaphore_mem>>) src(%dma_wait3A_50 : memref<249984x128xf32, #tpu.memory_space<hbm>>) dst(%dma_wait3A_44 : memref<128x128xf32, #tpu.memory_space<vmem>>)
    %dma_wait3A_51 = arith.constant 1 : i32
    %dma_wait3A_52 = arith.constant 128 : i32
    %dma_wait3A_53 = arith.constant 0 : i32
    %dma_wait3A_54 = tpu.memref_slice %arg6[%dma_wait3A_52, %dma_wait3A_53] : memref<512x128xf32, #tpu.memory_space<vmem>> -> memref<128x128xf32, #tpu.memory_space<vmem>>
    %dma_wait3A_55 = arith.constant 0 : i32
    %dma_wait3A_56 = tpu.memref_slice %arg5[%dma_wait3A_51, %dma_wait3A_55] : memref<4x128xi32, #tpu.memory_space<vmem>> -> memref<1x128xi32, #tpu.memory_space<vmem>>
    %dma_wait3A_57 = tpu.memref_squeeze %dma_wait3A_56 : memref<1x128xi32, #tpu.memory_space<vmem>> -> memref<128xi32, #tpu.memory_space<vmem>>
    %dma_wait3A_58 = arith.constant 0 : i32
    %dma_wait3A_59 = arith.constant 0 : i32
    %dma_wait3A_60 = tpu.memref_slice %arg3[%dma_wait3A_58, %dma_wait3A_59] : memref<249984x128xf32, #tpu.memory_space<hbm>> -> memref<249984x128xf32, #tpu.memory_space<hbm>>
    tpu.wait_indirect_dma semaphore(%arg7 : memref<!tpu.dma_semaphore, #tpu.memory_space<semaphore_mem>>) src(%dma_wait3A_60 : memref<249984x128xf32, #tpu.memory_space<hbm>>) dst(%dma_wait3A_54 : memref<128x128xf32, #tpu.memory_space<vmem>>)
    %dma_wait3A_61 = arith.constant 2 : i32
    %dma_wait3A_62 = arith.constant 256 : i32
    %dma_wait3A_63 = arith.constant 0 : i32
    %dma_wait3A_64 = tpu.memref_slice %arg6[%dma_wait3A_62, %dma_wait3A_63] : memref<512x128xf32, #tpu.memory_space<vmem>> -> memref<128x128xf32, #tpu.memory_space<vmem>>
    %dma_wait3A_65 = arith.constant 0 : i32
    %dma_wait3A_66 = tpu.memref_slice %arg5[%dma_wait3A_61, %dma_wait3A_65] : memref<4x128xi32, #tpu.memory_space<vmem>> -> memref<1x128xi32, #tpu.memory_space<vmem>>
    %dma_wait3A_67 = tpu.memref_squeeze %dma_wait3A_66 : memref<1x128xi32, #tpu.memory_space<vmem>> -> memref<128xi32, #tpu.memory_space<vmem>>
    %dma_wait3A_68 = arith.constant 0 : i32
    %dma_wait3A_69 = arith.constant 0 : i32
    %dma_wait3A_70 = tpu.memref_slice %arg3[%dma_wait3A_68, %dma_wait3A_69] : memref<249984x128xf32, #tpu.memory_space<hbm>> -> memref<249984x128xf32, #tpu.memory_space<hbm>>
    tpu.wait_indirect_dma semaphore(%arg7 : memref<!tpu.dma_semaphore, #tpu.memory_space<semaphore_mem>>) src(%dma_wait3A_70 : memref<249984x128xf32, #tpu.memory_space<hbm>>) dst(%dma_wait3A_64 : memref<128x128xf32, #tpu.memory_space<vmem>>)
    %dma_wait3A_71 = arith.constant 3 : i32
    %dma_wait3A_72 = arith.constant 384 : i32
    %dma_wait3A_73 = arith.constant 0 : i32
    %dma_wait3A_74 = tpu.memref_slice %arg6[%dma_wait3A_72, %dma_wait3A_73] : memref<512x128xf32, #tpu.memory_space<vmem>> -> memref<128x128xf32, #tpu.memory_space<vmem>>
    %dma_wait3A_75 = arith.constant 0 : i32
    %dma_wait3A_76 = tpu.memref_slice %arg5[%dma_wait3A_71, %dma_wait3A_75] : memref<4x128xi32, #tpu.memory_space<vmem>> -> memref<1x128xi32, #tpu.memory_space<vmem>>
    %dma_wait3A_77 = tpu.memref_squeeze %dma_wait3A_76 : memref<1x128xi32, #tpu.memory_space<vmem>> -> memref<128xi32, #tpu.memory_space<vmem>>
    %dma_wait3A_78 = arith.constant 0 : i32
    %dma_wait3A_79 = arith.constant 0 : i32
    %dma_wait3A_80 = tpu.memref_slice %arg3[%dma_wait3A_78, %dma_wait3A_79] : memref<249984x128xf32, #tpu.memory_space<hbm>> -> memref<249984x128xf32, #tpu.memory_space<hbm>>
    tpu.wait_indirect_dma semaphore(%arg7 : memref<!tpu.dma_semaphore, #tpu.memory_space<semaphore_mem>>) src(%dma_wait3A_80 : memref<249984x128xf32, #tpu.memory_space<hbm>>) dst(%dma_wait3A_74 : memref<128x128xf32, #tpu.memory_space<vmem>>)
    "tpu.region"() ({
      %run_scoped3A = tpu.sem_alloc : memref<!tpu.dma_semaphore, #tpu.memory_space<semaphore_mem>>
      %dma_start3A_81 = arith.constant 0 : i32
      %dma_start3A_82 = tpu.memref_slice %arg4[%mul3A_2, %dma_start3A_81] : memref<16384x128xf32, #tpu.memory_space<hbm>> -> memref<512x128xf32, #tpu.memory_space<hbm>>
      %dma_start3A_83 = arith.constant 0 : i32
      %dma_start3A_84 = tpu.memref_slice %arg4[%mul3A_2, %dma_start3A_83] : memref<16384x128xf32, #tpu.memory_space<hbm>> -> memref<512x128xf32, #tpu.memory_space<hbm>>
      tpu.enqueue_dma source(%arg6 : memref<512x128xf32, #tpu.memory_space<vmem>>) target(%dma_start3A_84 : memref<512x128xf32, #tpu.memory_space<hbm>>) target_semaphore(%run_scoped3A : memref<!tpu.dma_semaphore, #tpu.memory_space<semaphore_mem>>)
      %dma_wait3A_85 = arith.constant 0 : i32
      %dma_wait3A_86 = tpu.memref_slice %arg4[%mul3A_2, %dma_wait3A_85] : memref<16384x128xf32, #tpu.memory_space<hbm>> -> memref<512x128xf32, #tpu.memory_space<hbm>>
      %dma_wait3A_87 = arith.constant 0 : i32
      %dma_wait3A_88 = tpu.memref_slice %arg4[%mul3A_2, %dma_wait3A_87] : memref<16384x128xf32, #tpu.memory_space<hbm>> -> memref<512x128xf32, #tpu.memory_space<hbm>>
      tpu.wait_dma2 semaphore(%run_scoped3A : memref<!tpu.dma_semaphore, #tpu.memory_space<semaphore_mem>>) src(%arg6 : memref<512x128xf32, #tpu.memory_space<vmem>>) dst(%dma_wait3A_88 : memref<512x128xf32, #tpu.memory_space<hbm>>)
      tpu.yield
    }) : () -> ()
    return
  }
}

module attributes {stable_mosaic.version = 14 : i64} {
  func.func @_tc_transpose_body(%arg0: i32, %arg1: memref<32x1000000xf32, #tpu.memory_space<any>>, %arg2: memref<8064x128xf32, #tpu.memory_space<vmem>>, %arg3: memref<32x8064xf32, #tpu.memory_space<vmem>>, %arg4: memref<32x8064xf32, #tpu.memory_space<vmem>>, %arg5: memref<32x8064xf32, #tpu.memory_space<vmem>>, %arg6: memref<32x8064xf32, #tpu.memory_space<vmem>>, %arg7: memref<32x8064xf32, #tpu.memory_space<vmem>>, %arg8: memref<32x8064xf32, #tpu.memory_space<vmem>>, %arg9: memref<32x8064xf32, #tpu.memory_space<vmem>>, %arg10: memref<32x8064xf32, #tpu.memory_space<vmem>>, %arg11: memref<2x!tpu.dma_semaphore, #tpu.memory_space<semaphore_mem>>) attributes {dimension_semantics = [#tpu.dimension_semantics<arbitrary>], iteration_bounds = array<i64: 31>, scalar_prefetch = 0 : i64, scratch_operands = 9 : i64, tpu.core_type = #tpu.core_type<tc>, window_params = [{}, {transform_indices = @transform_1, window_bounds = array<i64: 8064, 128>}]} {
    %eq3A = arith.constant 0 : i32
    %eq3A_0 = arith.cmpi eq, %arg0, %eq3A : i32
    %convert_element_type3A = arith.extui %eq3A_0 : i1 to i32
    %cond3A = arith.constant 0 : i32
    %cond3A_1 = arith.cmpi ne, %convert_element_type3A, %cond3A : i32
    scf.if %cond3A_1 {
      %dma_start3A = arith.constant 0 : i32
      %dma_start3A_37 = tpu.memref_slice %arg11[%dma_start3A] : memref<2x!tpu.dma_semaphore, #tpu.memory_space<semaphore_mem>> -> memref<1x!tpu.dma_semaphore, #tpu.memory_space<semaphore_mem>>
      %dma_start3A_38 = tpu.memref_squeeze %dma_start3A_37 : memref<1x!tpu.dma_semaphore, #tpu.memory_space<semaphore_mem>> -> memref<!tpu.dma_semaphore, #tpu.memory_space<semaphore_mem>>
      %dma_start3A_39 = arith.constant 0 : i32
      %dma_start3A_40 = arith.constant 0 : i32
      %dma_start3A_41 = tpu.memref_slice %arg1[%dma_start3A_39, %dma_start3A_40] : memref<32x1000000xf32, #tpu.memory_space<any>> -> memref<32x8064xf32, #tpu.memory_space<any>>
      tpu.enqueue_dma source(%dma_start3A_41 : memref<32x8064xf32, #tpu.memory_space<any>>) target(%arg3 : memref<32x8064xf32, #tpu.memory_space<vmem>>) target_semaphore(%dma_start3A_38 : memref<!tpu.dma_semaphore, #tpu.memory_space<semaphore_mem>>)
      %dma_start3A_42 = arith.constant 0 : i32
      %dma_start3A_43 = tpu.memref_slice %arg11[%dma_start3A_42] : memref<2x!tpu.dma_semaphore, #tpu.memory_space<semaphore_mem>> -> memref<1x!tpu.dma_semaphore, #tpu.memory_space<semaphore_mem>>
      %dma_start3A_44 = tpu.memref_squeeze %dma_start3A_43 : memref<1x!tpu.dma_semaphore, #tpu.memory_space<semaphore_mem>> -> memref<!tpu.dma_semaphore, #tpu.memory_space<semaphore_mem>>
      %dma_start3A_45 = arith.constant 0 : i32
      %dma_start3A_46 = arith.constant 249984 : i32
      %dma_start3A_47 = tpu.memref_slice %arg1[%dma_start3A_45, %dma_start3A_46] : memref<32x1000000xf32, #tpu.memory_space<any>> -> memref<32x8064xf32, #tpu.memory_space<any>>
      tpu.enqueue_dma source(%dma_start3A_47 : memref<32x8064xf32, #tpu.memory_space<any>>) target(%arg4 : memref<32x8064xf32, #tpu.memory_space<vmem>>) target_semaphore(%dma_start3A_44 : memref<!tpu.dma_semaphore, #tpu.memory_space<semaphore_mem>>)
      %dma_start3A_48 = arith.constant 0 : i32
      %dma_start3A_49 = tpu.memref_slice %arg11[%dma_start3A_48] : memref<2x!tpu.dma_semaphore, #tpu.memory_space<semaphore_mem>> -> memref<1x!tpu.dma_semaphore, #tpu.memory_space<semaphore_mem>>
      %dma_start3A_50 = tpu.memref_squeeze %dma_start3A_49 : memref<1x!tpu.dma_semaphore, #tpu.memory_space<semaphore_mem>> -> memref<!tpu.dma_semaphore, #tpu.memory_space<semaphore_mem>>
      %dma_start3A_51 = arith.constant 0 : i32
      %dma_start3A_52 = arith.constant 499968 : i32
      %dma_start3A_53 = tpu.memref_slice %arg1[%dma_start3A_51, %dma_start3A_52] : memref<32x1000000xf32, #tpu.memory_space<any>> -> memref<32x8064xf32, #tpu.memory_space<any>>
      tpu.enqueue_dma source(%dma_start3A_53 : memref<32x8064xf32, #tpu.memory_space<any>>) target(%arg5 : memref<32x8064xf32, #tpu.memory_space<vmem>>) target_semaphore(%dma_start3A_50 : memref<!tpu.dma_semaphore, #tpu.memory_space<semaphore_mem>>)
      %dma_start3A_54 = arith.constant 0 : i32
      %dma_start3A_55 = tpu.memref_slice %arg11[%dma_start3A_54] : memref<2x!tpu.dma_semaphore, #tpu.memory_space<semaphore_mem>> -> memref<1x!tpu.dma_semaphore, #tpu.memory_space<semaphore_mem>>
      %dma_start3A_56 = tpu.memref_squeeze %dma_start3A_55 : memref<1x!tpu.dma_semaphore, #tpu.memory_space<semaphore_mem>> -> memref<!tpu.dma_semaphore, #tpu.memory_space<semaphore_mem>>
      %dma_start3A_57 = arith.constant 0 : i32
      %dma_start3A_58 = arith.constant 749952 : i32
      %dma_start3A_59 = tpu.memref_slice %arg1[%dma_start3A_57, %dma_start3A_58] : memref<32x1000000xf32, #tpu.memory_space<any>> -> memref<32x8064xf32, #tpu.memory_space<any>>
      tpu.enqueue_dma source(%dma_start3A_59 : memref<32x8064xf32, #tpu.memory_space<any>>) target(%arg6 : memref<32x8064xf32, #tpu.memory_space<vmem>>) target_semaphore(%dma_start3A_56 : memref<!tpu.dma_semaphore, #tpu.memory_space<semaphore_mem>>)
    } else {
    }
    %jit3A = arith.constant 2 : i32
    %eq3A_2 = arith.constant 0 : i32
    %eq3A_3 = arith.cmpi eq, %jit3A, %eq3A_2 : i32
    %jit3A_4 = arith.constant 1 : i32
    %select_n3A = arith.select %eq3A_3, %jit3A_4, %jit3A : i32
    %rem3A = arith.remsi %arg0, %select_n3A : i32
    %ne3A = arith.constant 0 : i32
    %ne3A_5 = arith.cmpi ne, %rem3A, %ne3A : i32
    %lt3A = arith.constant 0 : i32
    %lt3A_6 = arith.cmpi slt, %rem3A, %lt3A : i32
    %lt3A_7 = arith.constant 0 : i32
    %lt3A_8 = arith.cmpi slt, %select_n3A, %lt3A_7 : i32
    %ne3A_9 = arith.xori %lt3A_6, %lt3A_8 : i1
    %and3A = arith.andi %ne3A_9, %ne3A_5 : i1
    %add3A = arith.addi %rem3A, %select_n3A : i32
    %select_n3A_10 = arith.select %and3A, %add3A, %rem3A : i32
    %eq3A_11 = arith.constant 0 : i32
    %eq3A_12 = arith.cmpi eq, %select_n3A_10, %eq3A_11 : i32
    %convert_element_type3A_13 = arith.extui %eq3A_12 : i1 to i32
    %cond3A_14 = arith.constant 0 : i32
    %cond3A_15 = arith.cmpi ne, %convert_element_type3A_13, %cond3A_14 : i32
    scf.if %cond3A_15 {
      %add3A_37 = arith.constant 1 : i32
      %add3A_38 = arith.addi %arg0, %add3A_37 : i32
      %lt3A_39 = arith.constant 31 : i32
      %lt3A_40 = arith.cmpi slt, %add3A_38, %lt3A_39 : i32
      %convert_element_type3A_41 = arith.extui %lt3A_40 : i1 to i32
      %cond3A_42 = arith.constant 0 : i32
      %cond3A_43 = arith.cmpi ne, %convert_element_type3A_41, %cond3A_42 : i32
      scf.if %cond3A_43 {
        %add3A_92 = arith.constant 1 : i32
        %add3A_93 = arith.addi %arg0, %add3A_92 : i32
        %mul3A = arith.constant 8064 : i32
        %mul3A_94 = arith.muli %add3A_93, %mul3A : i32
        %add3A_95 = arith.constant 0 : i32
        %add3A_96 = arith.addi %add3A_95, %mul3A_94 : i32
        %dma_start3A = arith.constant 1 : i32
        %dma_start3A_97 = tpu.memref_slice %arg11[%dma_start3A] : memref<2x!tpu.dma_semaphore, #tpu.memory_space<semaphore_mem>> -> memref<1x!tpu.dma_semaphore, #tpu.memory_space<semaphore_mem>>
        %dma_start3A_98 = tpu.memref_squeeze %dma_start3A_97 : memref<1x!tpu.dma_semaphore, #tpu.memory_space<semaphore_mem>> -> memref<!tpu.dma_semaphore, #tpu.memory_space<semaphore_mem>>
        %dma_start3A_99 = arith.constant 0 : i32
        %dma_start3A_100 = tpu.memref_slice %arg1[%dma_start3A_99, %add3A_96] : memref<32x1000000xf32, #tpu.memory_space<any>> -> memref<32x8064xf32, #tpu.memory_space<any>>
        tpu.enqueue_dma source(%dma_start3A_100 : memref<32x8064xf32, #tpu.memory_space<any>>) target(%arg7 : memref<32x8064xf32, #tpu.memory_space<vmem>>) target_semaphore(%dma_start3A_98 : memref<!tpu.dma_semaphore, #tpu.memory_space<semaphore_mem>>)
        %mul3A_101 = arith.constant 8064 : i32
        %mul3A_102 = arith.muli %add3A_93, %mul3A_101 : i32
        %add3A_103 = arith.constant 249984 : i32
        %add3A_104 = arith.addi %add3A_103, %mul3A_102 : i32
        %dma_start3A_105 = arith.constant 1 : i32
        %dma_start3A_106 = tpu.memref_slice %arg11[%dma_start3A_105] : memref<2x!tpu.dma_semaphore, #tpu.memory_space<semaphore_mem>> -> memref<1x!tpu.dma_semaphore, #tpu.memory_space<semaphore_mem>>
        %dma_start3A_107 = tpu.memref_squeeze %dma_start3A_106 : memref<1x!tpu.dma_semaphore, #tpu.memory_space<semaphore_mem>> -> memref<!tpu.dma_semaphore, #tpu.memory_space<semaphore_mem>>
        %dma_start3A_108 = arith.constant 0 : i32
        %dma_start3A_109 = tpu.memref_slice %arg1[%dma_start3A_108, %add3A_104] : memref<32x1000000xf32, #tpu.memory_space<any>> -> memref<32x8064xf32, #tpu.memory_space<any>>
        tpu.enqueue_dma source(%dma_start3A_109 : memref<32x8064xf32, #tpu.memory_space<any>>) target(%arg8 : memref<32x8064xf32, #tpu.memory_space<vmem>>) target_semaphore(%dma_start3A_107 : memref<!tpu.dma_semaphore, #tpu.memory_space<semaphore_mem>>)
        %mul3A_110 = arith.constant 8064 : i32
        %mul3A_111 = arith.muli %add3A_93, %mul3A_110 : i32
        %add3A_112 = arith.constant 499968 : i32
        %add3A_113 = arith.addi %add3A_112, %mul3A_111 : i32
        %dma_start3A_114 = arith.constant 1 : i32
        %dma_start3A_115 = tpu.memref_slice %arg11[%dma_start3A_114] : memref<2x!tpu.dma_semaphore, #tpu.memory_space<semaphore_mem>> -> memref<1x!tpu.dma_semaphore, #tpu.memory_space<semaphore_mem>>
        %dma_start3A_116 = tpu.memref_squeeze %dma_start3A_115 : memref<1x!tpu.dma_semaphore, #tpu.memory_space<semaphore_mem>> -> memref<!tpu.dma_semaphore, #tpu.memory_space<semaphore_mem>>
        %dma_start3A_117 = arith.constant 0 : i32
        %dma_start3A_118 = tpu.memref_slice %arg1[%dma_start3A_117, %add3A_113] : memref<32x1000000xf32, #tpu.memory_space<any>> -> memref<32x8064xf32, #tpu.memory_space<any>>
        tpu.enqueue_dma source(%dma_start3A_118 : memref<32x8064xf32, #tpu.memory_space<any>>) target(%arg9 : memref<32x8064xf32, #tpu.memory_space<vmem>>) target_semaphore(%dma_start3A_116 : memref<!tpu.dma_semaphore, #tpu.memory_space<semaphore_mem>>)
        %mul3A_119 = arith.constant 8064 : i32
        %mul3A_120 = arith.muli %add3A_93, %mul3A_119 : i32
        %add3A_121 = arith.constant 749952 : i32
        %add3A_122 = arith.addi %add3A_121, %mul3A_120 : i32
        %dma_start3A_123 = arith.constant 1 : i32
        %dma_start3A_124 = tpu.memref_slice %arg11[%dma_start3A_123] : memref<2x!tpu.dma_semaphore, #tpu.memory_space<semaphore_mem>> -> memref<1x!tpu.dma_semaphore, #tpu.memory_space<semaphore_mem>>
        %dma_start3A_125 = tpu.memref_squeeze %dma_start3A_124 : memref<1x!tpu.dma_semaphore, #tpu.memory_space<semaphore_mem>> -> memref<!tpu.dma_semaphore, #tpu.memory_space<semaphore_mem>>
        %dma_start3A_126 = arith.constant 0 : i32
        %dma_start3A_127 = tpu.memref_slice %arg1[%dma_start3A_126, %add3A_122] : memref<32x1000000xf32, #tpu.memory_space<any>> -> memref<32x8064xf32, #tpu.memory_space<any>>
        tpu.enqueue_dma source(%dma_start3A_127 : memref<32x8064xf32, #tpu.memory_space<any>>) target(%arg10 : memref<32x8064xf32, #tpu.memory_space<vmem>>) target_semaphore(%dma_start3A_125 : memref<!tpu.dma_semaphore, #tpu.memory_space<semaphore_mem>>)
      } else {
      }
      %dma_wait3A = arith.constant 0 : i32
      %dma_wait3A_44 = tpu.memref_slice %arg11[%dma_wait3A] : memref<2x!tpu.dma_semaphore, #tpu.memory_space<semaphore_mem>> -> memref<1x!tpu.dma_semaphore, #tpu.memory_space<semaphore_mem>>
      %dma_wait3A_45 = tpu.memref_squeeze %dma_wait3A_44 : memref<1x!tpu.dma_semaphore, #tpu.memory_space<semaphore_mem>> -> memref<!tpu.dma_semaphore, #tpu.memory_space<semaphore_mem>>
      %dma_wait3A_46 = arith.constant 0 : i32
      %dma_wait3A_47 = arith.constant 0 : i32
      %dma_wait3A_48 = tpu.memref_slice %arg1[%dma_wait3A_46, %dma_wait3A_47] : memref<32x1000000xf32, #tpu.memory_space<any>> -> memref<32x8064xf32, #tpu.memory_space<any>>
      tpu.wait_dma2 semaphore(%dma_wait3A_45 : memref<!tpu.dma_semaphore, #tpu.memory_space<semaphore_mem>>) src(%dma_wait3A_48 : memref<32x8064xf32, #tpu.memory_space<any>>) dst(%arg3 : memref<32x8064xf32, #tpu.memory_space<vmem>>)
      %dma_wait3A_49 = arith.constant 0 : i32
      %dma_wait3A_50 = tpu.memref_slice %arg11[%dma_wait3A_49] : memref<2x!tpu.dma_semaphore, #tpu.memory_space<semaphore_mem>> -> memref<1x!tpu.dma_semaphore, #tpu.memory_space<semaphore_mem>>
      %dma_wait3A_51 = tpu.memref_squeeze %dma_wait3A_50 : memref<1x!tpu.dma_semaphore, #tpu.memory_space<semaphore_mem>> -> memref<!tpu.dma_semaphore, #tpu.memory_space<semaphore_mem>>
      %dma_wait3A_52 = arith.constant 0 : i32
      %dma_wait3A_53 = arith.constant 0 : i32
      %dma_wait3A_54 = tpu.memref_slice %arg1[%dma_wait3A_52, %dma_wait3A_53] : memref<32x1000000xf32, #tpu.memory_space<any>> -> memref<32x8064xf32, #tpu.memory_space<any>>
      tpu.wait_dma2 semaphore(%dma_wait3A_51 : memref<!tpu.dma_semaphore, #tpu.memory_space<semaphore_mem>>) src(%dma_wait3A_54 : memref<32x8064xf32, #tpu.memory_space<any>>) dst(%arg4 : memref<32x8064xf32, #tpu.memory_space<vmem>>)
      %dma_wait3A_55 = arith.constant 0 : i32
      %dma_wait3A_56 = tpu.memref_slice %arg11[%dma_wait3A_55] : memref<2x!tpu.dma_semaphore, #tpu.memory_space<semaphore_mem>> -> memref<1x!tpu.dma_semaphore, #tpu.memory_space<semaphore_mem>>
      %dma_wait3A_57 = tpu.memref_squeeze %dma_wait3A_56 : memref<1x!tpu.dma_semaphore, #tpu.memory_space<semaphore_mem>> -> memref<!tpu.dma_semaphore, #tpu.memory_space<semaphore_mem>>
      %dma_wait3A_58 = arith.constant 0 : i32
      %dma_wait3A_59 = arith.constant 0 : i32
      %dma_wait3A_60 = tpu.memref_slice %arg1[%dma_wait3A_58, %dma_wait3A_59] : memref<32x1000000xf32, #tpu.memory_space<any>> -> memref<32x8064xf32, #tpu.memory_space<any>>
      tpu.wait_dma2 semaphore(%dma_wait3A_57 : memref<!tpu.dma_semaphore, #tpu.memory_space<semaphore_mem>>) src(%dma_wait3A_60 : memref<32x8064xf32, #tpu.memory_space<any>>) dst(%arg5 : memref<32x8064xf32, #tpu.memory_space<vmem>>)
      %dma_wait3A_61 = arith.constant 0 : i32
      %dma_wait3A_62 = tpu.memref_slice %arg11[%dma_wait3A_61] : memref<2x!tpu.dma_semaphore, #tpu.memory_space<semaphore_mem>> -> memref<1x!tpu.dma_semaphore, #tpu.memory_space<semaphore_mem>>
      %dma_wait3A_63 = tpu.memref_squeeze %dma_wait3A_62 : memref<1x!tpu.dma_semaphore, #tpu.memory_space<semaphore_mem>> -> memref<!tpu.dma_semaphore, #tpu.memory_space<semaphore_mem>>
      %dma_wait3A_64 = arith.constant 0 : i32
      %dma_wait3A_65 = arith.constant 0 : i32
      %dma_wait3A_66 = tpu.memref_slice %arg1[%dma_wait3A_64, %dma_wait3A_65] : memref<32x1000000xf32, #tpu.memory_space<any>> -> memref<32x8064xf32, #tpu.memory_space<any>>
      tpu.wait_dma2 semaphore(%dma_wait3A_63 : memref<!tpu.dma_semaphore, #tpu.memory_space<semaphore_mem>>) src(%dma_wait3A_66 : memref<32x8064xf32, #tpu.memory_space<any>>) dst(%arg6 : memref<32x8064xf32, #tpu.memory_space<vmem>>)
      %get3A = arith.constant 0 : index
      %get3A_67 = arith.constant 0 : index
      %get3A_68 = vector.load %arg3[%get3A, %get3A_67] : memref<32x8064xf32, #tpu.memory_space<vmem>>, vector<32x8064xf32>
      %transpose3A = tpu.transpose %get3A_68, [1, 0] : vector<32x8064xf32> -> vector<8064x32xf32>
      %swap3A = arith.constant 0 : index
      %swap3A_69 = arith.constant 0 : index
      %swap3A_70 = vector.load %arg2[%swap3A, %swap3A_69] : memref<8064x128xf32, #tpu.memory_space<vmem>>, vector<8064x32xf32>
      tpu.vector_store %arg2[%swap3A, %swap3A_69], %transpose3A {strides = array<i32>} : memref<8064x128xf32, #tpu.memory_space<vmem>>, vector<8064x32xf32>,
      %get3A_71 = arith.constant 0 : index
      %get3A_72 = arith.constant 0 : index
      %get3A_73 = vector.load %arg4[%get3A_71, %get3A_72] : memref<32x8064xf32, #tpu.memory_space<vmem>>, vector<32x8064xf32>
      %transpose3A_74 = tpu.transpose %get3A_73, [1, 0] : vector<32x8064xf32> -> vector<8064x32xf32>
      %swap3A_75 = arith.constant 0 : index
      %swap3A_76 = arith.constant 32 : index
      %swap3A_77 = vector.load %arg2[%swap3A_75, %swap3A_76] : memref<8064x128xf32, #tpu.memory_space<vmem>>, vector<8064x32xf32>
      tpu.vector_store %arg2[%swap3A_75, %swap3A_76], %transpose3A_74 {strides = array<i32>} : memref<8064x128xf32, #tpu.memory_space<vmem>>, vector<8064x32xf32>,
      %get3A_78 = arith.constant 0 : index
      %get3A_79 = arith.constant 0 : index
      %get3A_80 = vector.load %arg5[%get3A_78, %get3A_79] : memref<32x8064xf32, #tpu.memory_space<vmem>>, vector<32x8064xf32>
      %transpose3A_81 = tpu.transpose %get3A_80, [1, 0] : vector<32x8064xf32> -> vector<8064x32xf32>
      %swap3A_82 = arith.constant 0 : index
      %swap3A_83 = arith.constant 64 : index
      %swap3A_84 = vector.load %arg2[%swap3A_82, %swap3A_83] : memref<8064x128xf32, #tpu.memory_space<vmem>>, vector<8064x32xf32>
      tpu.vector_store %arg2[%swap3A_82, %swap3A_83], %transpose3A_81 {strides = array<i32>} : memref<8064x128xf32, #tpu.memory_space<vmem>>, vector<8064x32xf32>,
      %get3A_85 = arith.constant 0 : index
      %get3A_86 = arith.constant 0 : index
      %get3A_87 = vector.load %arg6[%get3A_85, %get3A_86] : memref<32x8064xf32, #tpu.memory_space<vmem>>, vector<32x8064xf32>
      %transpose3A_88 = tpu.transpose %get3A_87, [1, 0] : vector<32x8064xf32> -> vector<8064x32xf32>
      %swap3A_89 = arith.constant 0 : index
      %swap3A_90 = arith.constant 96 : index
      %swap3A_91 = vector.load %arg2[%swap3A_89, %swap3A_90] : memref<8064x128xf32, #tpu.memory_space<vmem>>, vector<8064x32xf32>
      tpu.vector_store %arg2[%swap3A_89, %swap3A_90], %transpose3A_88 {strides = array<i32>} : memref<8064x128xf32, #tpu.memory_space<vmem>>, vector<8064x32xf32>,
    } else {
    }
    %jit3A_16 = arith.constant 2 : i32
    %eq3A_17 = arith.constant 0 : i32
    %eq3A_18 = arith.cmpi eq, %jit3A_16, %eq3A_17 : i32
    %jit3A_19 = arith.constant 1 : i32
    %select_n3A_20 = arith.select %eq3A_18, %jit3A_19, %jit3A_16 : i32
    %rem3A_21 = arith.remsi %arg0, %select_n3A_20 : i32
    %ne3A_22 = arith.constant 0 : i32
    %ne3A_23 = arith.cmpi ne, %rem3A_21, %ne3A_22 : i32
    %lt3A_24 = arith.constant 0 : i32
    %lt3A_25 = arith.cmpi slt, %rem3A_21, %lt3A_24 : i32
    %lt3A_26 = arith.constant 0 : i32
    %lt3A_27 = arith.cmpi slt, %select_n3A_20, %lt3A_26 : i32
    %ne3A_28 = arith.xori %lt3A_25, %lt3A_27 : i1
    %and3A_29 = arith.andi %ne3A_28, %ne3A_23 : i1
    %add3A_30 = arith.addi %rem3A_21, %select_n3A_20 : i32
    %select_n3A_31 = arith.select %and3A_29, %add3A_30, %rem3A_21 : i32
    %eq3A_32 = arith.constant 1 : i32
    %eq3A_33 = arith.cmpi eq, %select_n3A_31, %eq3A_32 : i32
    %convert_element_type3A_34 = arith.extui %eq3A_33 : i1 to i32
    %cond3A_35 = arith.constant 0 : i32
    %cond3A_36 = arith.cmpi ne, %convert_element_type3A_34, %cond3A_35 : i32
    scf.if %cond3A_36 {
      %add3A_37 = arith.constant 1 : i32
      %add3A_38 = arith.addi %arg0, %add3A_37 : i32
      %lt3A_39 = arith.constant 31 : i32
      %lt3A_40 = arith.cmpi slt, %add3A_38, %lt3A_39 : i32
      %convert_element_type3A_41 = arith.extui %lt3A_40 : i1 to i32
      %cond3A_42 = arith.constant 0 : i32
      %cond3A_43 = arith.cmpi ne, %convert_element_type3A_41, %cond3A_42 : i32
      scf.if %cond3A_43 {
        %add3A_92 = arith.constant 1 : i32
        %add3A_93 = arith.addi %arg0, %add3A_92 : i32
        %mul3A = arith.constant 8064 : i32
        %mul3A_94 = arith.muli %add3A_93, %mul3A : i32
        %add3A_95 = arith.constant 0 : i32
        %add3A_96 = arith.addi %add3A_95, %mul3A_94 : i32
        %dma_start3A = arith.constant 0 : i32
        %dma_start3A_97 = tpu.memref_slice %arg11[%dma_start3A] : memref<2x!tpu.dma_semaphore, #tpu.memory_space<semaphore_mem>> -> memref<1x!tpu.dma_semaphore, #tpu.memory_space<semaphore_mem>>
        %dma_start3A_98 = tpu.memref_squeeze %dma_start3A_97 : memref<1x!tpu.dma_semaphore, #tpu.memory_space<semaphore_mem>> -> memref<!tpu.dma_semaphore, #tpu.memory_space<semaphore_mem>>
        %dma_start3A_99 = arith.constant 0 : i32
        %dma_start3A_100 = tpu.memref_slice %arg1[%dma_start3A_99, %add3A_96] : memref<32x1000000xf32, #tpu.memory_space<any>> -> memref<32x8064xf32, #tpu.memory_space<any>>
        tpu.enqueue_dma source(%dma_start3A_100 : memref<32x8064xf32, #tpu.memory_space<any>>) target(%arg3 : memref<32x8064xf32, #tpu.memory_space<vmem>>) target_semaphore(%dma_start3A_98 : memref<!tpu.dma_semaphore, #tpu.memory_space<semaphore_mem>>)
        %mul3A_101 = arith.constant 8064 : i32
        %mul3A_102 = arith.muli %add3A_93, %mul3A_101 : i32
        %add3A_103 = arith.constant 249984 : i32
        %add3A_104 = arith.addi %add3A_103, %mul3A_102 : i32
        %dma_start3A_105 = arith.constant 0 : i32
        %dma_start3A_106 = tpu.memref_slice %arg11[%dma_start3A_105] : memref<2x!tpu.dma_semaphore, #tpu.memory_space<semaphore_mem>> -> memref<1x!tpu.dma_semaphore, #tpu.memory_space<semaphore_mem>>
        %dma_start3A_107 = tpu.memref_squeeze %dma_start3A_106 : memref<1x!tpu.dma_semaphore, #tpu.memory_space<semaphore_mem>> -> memref<!tpu.dma_semaphore, #tpu.memory_space<semaphore_mem>>
        %dma_start3A_108 = arith.constant 0 : i32
        %dma_start3A_109 = tpu.memref_slice %arg1[%dma_start3A_108, %add3A_104] : memref<32x1000000xf32, #tpu.memory_space<any>> -> memref<32x8064xf32, #tpu.memory_space<any>>
        tpu.enqueue_dma source(%dma_start3A_109 : memref<32x8064xf32, #tpu.memory_space<any>>) target(%arg4 : memref<32x8064xf32, #tpu.memory_space<vmem>>) target_semaphore(%dma_start3A_107 : memref<!tpu.dma_semaphore, #tpu.memory_space<semaphore_mem>>)
        %mul3A_110 = arith.constant 8064 : i32
        %mul3A_111 = arith.muli %add3A_93, %mul3A_110 : i32
        %add3A_112 = arith.constant 499968 : i32
        %add3A_113 = arith.addi %add3A_112, %mul3A_111 : i32
        %dma_start3A_114 = arith.constant 0 : i32
        %dma_start3A_115 = tpu.memref_slice %arg11[%dma_start3A_114] : memref<2x!tpu.dma_semaphore, #tpu.memory_space<semaphore_mem>> -> memref<1x!tpu.dma_semaphore, #tpu.memory_space<semaphore_mem>>
        %dma_start3A_116 = tpu.memref_squeeze %dma_start3A_115 : memref<1x!tpu.dma_semaphore, #tpu.memory_space<semaphore_mem>> -> memref<!tpu.dma_semaphore, #tpu.memory_space<semaphore_mem>>
        %dma_start3A_117 = arith.constant 0 : i32
        %dma_start3A_118 = tpu.memref_slice %arg1[%dma_start3A_117, %add3A_113] : memref<32x1000000xf32, #tpu.memory_space<any>> -> memref<32x8064xf32, #tpu.memory_space<any>>
        tpu.enqueue_dma source(%dma_start3A_118 : memref<32x8064xf32, #tpu.memory_space<any>>) target(%arg5 : memref<32x8064xf32, #tpu.memory_space<vmem>>) target_semaphore(%dma_start3A_116 : memref<!tpu.dma_semaphore, #tpu.memory_space<semaphore_mem>>)
        %mul3A_119 = arith.constant 8064 : i32
        %mul3A_120 = arith.muli %add3A_93, %mul3A_119 : i32
        %add3A_121 = arith.constant 749952 : i32
        %add3A_122 = arith.addi %add3A_121, %mul3A_120 : i32
        %dma_start3A_123 = arith.constant 0 : i32
        %dma_start3A_124 = tpu.memref_slice %arg11[%dma_start3A_123] : memref<2x!tpu.dma_semaphore, #tpu.memory_space<semaphore_mem>> -> memref<1x!tpu.dma_semaphore, #tpu.memory_space<semaphore_mem>>
        %dma_start3A_125 = tpu.memref_squeeze %dma_start3A_124 : memref<1x!tpu.dma_semaphore, #tpu.memory_space<semaphore_mem>> -> memref<!tpu.dma_semaphore, #tpu.memory_space<semaphore_mem>>
        %dma_start3A_126 = arith.constant 0 : i32
        %dma_start3A_127 = tpu.memref_slice %arg1[%dma_start3A_126, %add3A_122] : memref<32x1000000xf32, #tpu.memory_space<any>> -> memref<32x8064xf32, #tpu.memory_space<any>>
        tpu.enqueue_dma source(%dma_start3A_127 : memref<32x8064xf32, #tpu.memory_space<any>>) target(%arg6 : memref<32x8064xf32, #tpu.memory_space<vmem>>) target_semaphore(%dma_start3A_125 : memref<!tpu.dma_semaphore, #tpu.memory_space<semaphore_mem>>)
      } else {
      }
      %dma_wait3A = arith.constant 1 : i32
      %dma_wait3A_44 = tpu.memref_slice %arg11[%dma_wait3A] : memref<2x!tpu.dma_semaphore, #tpu.memory_space<semaphore_mem>> -> memref<1x!tpu.dma_semaphore, #tpu.memory_space<semaphore_mem>>
      %dma_wait3A_45 = tpu.memref_squeeze %dma_wait3A_44 : memref<1x!tpu.dma_semaphore, #tpu.memory_space<semaphore_mem>> -> memref<!tpu.dma_semaphore, #tpu.memory_space<semaphore_mem>>
      %dma_wait3A_46 = arith.constant 0 : i32
      %dma_wait3A_47 = arith.constant 0 : i32
      %dma_wait3A_48 = tpu.memref_slice %arg1[%dma_wait3A_46, %dma_wait3A_47] : memref<32x1000000xf32, #tpu.memory_space<any>> -> memref<32x8064xf32, #tpu.memory_space<any>>
      tpu.wait_dma2 semaphore(%dma_wait3A_45 : memref<!tpu.dma_semaphore, #tpu.memory_space<semaphore_mem>>) src(%dma_wait3A_48 : memref<32x8064xf32, #tpu.memory_space<any>>) dst(%arg7 : memref<32x8064xf32, #tpu.memory_space<vmem>>)
      %dma_wait3A_49 = arith.constant 1 : i32
      %dma_wait3A_50 = tpu.memref_slice %arg11[%dma_wait3A_49] : memref<2x!tpu.dma_semaphore, #tpu.memory_space<semaphore_mem>> -> memref<1x!tpu.dma_semaphore, #tpu.memory_space<semaphore_mem>>
      %dma_wait3A_51 = tpu.memref_squeeze %dma_wait3A_50 : memref<1x!tpu.dma_semaphore, #tpu.memory_space<semaphore_mem>> -> memref<!tpu.dma_semaphore, #tpu.memory_space<semaphore_mem>>
      %dma_wait3A_52 = arith.constant 0 : i32
      %dma_wait3A_53 = arith.constant 0 : i32
      %dma_wait3A_54 = tpu.memref_slice %arg1[%dma_wait3A_52, %dma_wait3A_53] : memref<32x1000000xf32, #tpu.memory_space<any>> -> memref<32x8064xf32, #tpu.memory_space<any>>
      tpu.wait_dma2 semaphore(%dma_wait3A_51 : memref<!tpu.dma_semaphore, #tpu.memory_space<semaphore_mem>>) src(%dma_wait3A_54 : memref<32x8064xf32, #tpu.memory_space<any>>) dst(%arg8 : memref<32x8064xf32, #tpu.memory_space<vmem>>)
      %dma_wait3A_55 = arith.constant 1 : i32
      %dma_wait3A_56 = tpu.memref_slice %arg11[%dma_wait3A_55] : memref<2x!tpu.dma_semaphore, #tpu.memory_space<semaphore_mem>> -> memref<1x!tpu.dma_semaphore, #tpu.memory_space<semaphore_mem>>
      %dma_wait3A_57 = tpu.memref_squeeze %dma_wait3A_56 : memref<1x!tpu.dma_semaphore, #tpu.memory_space<semaphore_mem>> -> memref<!tpu.dma_semaphore, #tpu.memory_space<semaphore_mem>>
      %dma_wait3A_58 = arith.constant 0 : i32
      %dma_wait3A_59 = arith.constant 0 : i32
      %dma_wait3A_60 = tpu.memref_slice %arg1[%dma_wait3A_58, %dma_wait3A_59] : memref<32x1000000xf32, #tpu.memory_space<any>> -> memref<32x8064xf32, #tpu.memory_space<any>>
      tpu.wait_dma2 semaphore(%dma_wait3A_57 : memref<!tpu.dma_semaphore, #tpu.memory_space<semaphore_mem>>) src(%dma_wait3A_60 : memref<32x8064xf32, #tpu.memory_space<any>>) dst(%arg9 : memref<32x8064xf32, #tpu.memory_space<vmem>>)
      %dma_wait3A_61 = arith.constant 1 : i32
      %dma_wait3A_62 = tpu.memref_slice %arg11[%dma_wait3A_61] : memref<2x!tpu.dma_semaphore, #tpu.memory_space<semaphore_mem>> -> memref<1x!tpu.dma_semaphore, #tpu.memory_space<semaphore_mem>>
      %dma_wait3A_63 = tpu.memref_squeeze %dma_wait3A_62 : memref<1x!tpu.dma_semaphore, #tpu.memory_space<semaphore_mem>> -> memref<!tpu.dma_semaphore, #tpu.memory_space<semaphore_mem>>
      %dma_wait3A_64 = arith.constant 0 : i32
      %dma_wait3A_65 = arith.constant 0 : i32
      %dma_wait3A_66 = tpu.memref_slice %arg1[%dma_wait3A_64, %dma_wait3A_65] : memref<32x1000000xf32, #tpu.memory_space<any>> -> memref<32x8064xf32, #tpu.memory_space<any>>
      tpu.wait_dma2 semaphore(%dma_wait3A_63 : memref<!tpu.dma_semaphore, #tpu.memory_space<semaphore_mem>>) src(%dma_wait3A_66 : memref<32x8064xf32, #tpu.memory_space<any>>) dst(%arg10 : memref<32x8064xf32, #tpu.memory_space<vmem>>)
      %get3A = arith.constant 0 : index
      %get3A_67 = arith.constant 0 : index
      %get3A_68 = vector.load %arg7[%get3A, %get3A_67] : memref<32x8064xf32, #tpu.memory_space<vmem>>, vector<32x8064xf32>
      %transpose3A = tpu.transpose %get3A_68, [1, 0] : vector<32x8064xf32> -> vector<8064x32xf32>
      %swap3A = arith.constant 0 : index
      %swap3A_69 = arith.constant 0 : index
      %swap3A_70 = vector.load %arg2[%swap3A, %swap3A_69] : memref<8064x128xf32, #tpu.memory_space<vmem>>, vector<8064x32xf32>
      tpu.vector_store %arg2[%swap3A, %swap3A_69], %transpose3A {strides = array<i32>} : memref<8064x128xf32, #tpu.memory_space<vmem>>, vector<8064x32xf32>,
      %get3A_71 = arith.constant 0 : index
      %get3A_72 = arith.constant 0 : index
      %get3A_73 = vector.load %arg8[%get3A_71, %get3A_72] : memref<32x8064xf32, #tpu.memory_space<vmem>>, vector<32x8064xf32>
      %transpose3A_74 = tpu.transpose %get3A_73, [1, 0] : vector<32x8064xf32> -> vector<8064x32xf32>
      %swap3A_75 = arith.constant 0 : index
      %swap3A_76 = arith.constant 32 : index
      %swap3A_77 = vector.load %arg2[%swap3A_75, %swap3A_76] : memref<8064x128xf32, #tpu.memory_space<vmem>>, vector<8064x32xf32>
      tpu.vector_store %arg2[%swap3A_75, %swap3A_76], %transpose3A_74 {strides = array<i32>} : memref<8064x128xf32, #tpu.memory_space<vmem>>, vector<8064x32xf32>,
      %get3A_78 = arith.constant 0 : index
      %get3A_79 = arith.constant 0 : index
      %get3A_80 = vector.load %arg9[%get3A_78, %get3A_79] : memref<32x8064xf32, #tpu.memory_space<vmem>>, vector<32x8064xf32>
      %transpose3A_81 = tpu.transpose %get3A_80, [1, 0] : vector<32x8064xf32> -> vector<8064x32xf32>
      %swap3A_82 = arith.constant 0 : index
      %swap3A_83 = arith.constant 64 : index
      %swap3A_84 = vector.load %arg2[%swap3A_82, %swap3A_83] : memref<8064x128xf32, #tpu.memory_space<vmem>>, vector<8064x32xf32>
      tpu.vector_store %arg2[%swap3A_82, %swap3A_83], %transpose3A_81 {strides = array<i32>} : memref<8064x128xf32, #tpu.memory_space<vmem>>, vector<8064x32xf32>,
      %get3A_85 = arith.constant 0 : index
      %get3A_86 = arith.constant 0 : index
      %get3A_87 = vector.load %arg10[%get3A_85, %get3A_86] : memref<32x8064xf32, #tpu.memory_space<vmem>>, vector<32x8064xf32>
      %transpose3A_88 = tpu.transpose %get3A_87, [1, 0] : vector<32x8064xf32> -> vector<8064x32xf32>
      %swap3A_89 = arith.constant 0 : index
      %swap3A_90 = arith.constant 96 : index
      %swap3A_91 = vector.load %arg2[%swap3A_89, %swap3A_90] : memref<8064x128xf32, #tpu.memory_space<vmem>>, vector<8064x32xf32>
      tpu.vector_store %arg2[%swap3A_89, %swap3A_90], %transpose3A_88 {strides = array<i32>} : memref<8064x128xf32, #tpu.memory_space<vmem>>, vector<8064x32xf32>,
    } else {
    }
    return
  }
  func.func @transform_1(%arg0: i32) -> (i32, i32) {
    %c0_i32 = arith.constant 0 : i32
    %c0_i32_0 = arith.constant 0 : i32
    return %arg0, %c0_i32 : i32, i32
  }
}

module attributes {stable_mosaic.version = 14 : i64} {
  func.func @_mlp_body(%arg0: i32, %arg1: memref<2048x128xf32, #tpu.memory_space<vmem>>, %arg2: memref<2048x1xi32, #tpu.memory_space<vmem>>, %arg3: memref<2048x1xi32, #tpu.memory_space<vmem>>, %arg4: memref<64x32xf32, #tpu.memory_space<vmem>>, %arg5: memref<2048x32xf32, #tpu.memory_space<vmem>>, %arg6: memref<2048x8xf32, #tpu.memory_space<vmem>>, %arg7: memref<128x32xf32, #tpu.memory_space<vmem>>, %arg8: memref<8x32xf32, #tpu.memory_space<vmem>>, %arg9: memref<1x32xf32, #tpu.memory_space<vmem>>, %arg10: memref<32x32xf32, #tpu.memory_space<vmem>>, %arg11: memref<32x32xf32, #tpu.memory_space<vmem>>, %arg12: memref<1x32xf32, #tpu.memory_space<vmem>>, %arg13: memref<32x32xf32, #tpu.memory_space<vmem>>, %arg14: memref<1x32xf32, #tpu.memory_space<vmem>>, %arg15: memref<32x2048xf32, #tpu.memory_space<vmem>>) attributes {dimension_semantics = [#tpu.dimension_semantics<arbitrary>], iteration_bounds = array<i64: 8>, scalar_prefetch = 0 : i64, scratch_operands = 0 : i64, tpu.core_type = #tpu.core_type<tc>, window_params = [{transform_indices = @transform_0, window_bounds = array<i64: 2048, 128>}, {transform_indices = @transform_1, window_bounds = array<i64: 2048, 1>}, {transform_indices = @transform_2, window_bounds = array<i64: 2048, 1>}, {pipeline_mode = #tpu.pipeline_mode<synchronous>, transform_indices = @transform_3, window_bounds = array<i64: 64, 32>}, {transform_indices = @transform_4, window_bounds = array<i64: 2048, 32>}, {transform_indices = @transform_5, window_bounds = array<i64: 2048, 8>}, {pipeline_mode = #tpu.pipeline_mode<synchronous>, transform_indices = @transform_6, window_bounds = array<i64: 128, 32>}, {pipeline_mode = #tpu.pipeline_mode<synchronous>, transform_indices = @transform_7, window_bounds = array<i64: 8, 32>}, {pipeline_mode = #tpu.pipeline_mode<synchronous>, transform_indices = @transform_8, window_bounds = array<i64: 1, 32>}, {pipeline_mode = #tpu.pipeline_mode<synchronous>, transform_indices = @transform_9, window_bounds = array<i64: 32, 32>}, {pipeline_mode = #tpu.pipeline_mode<synchronous>, transform_indices = @transform_10, window_bounds = array<i64: 32, 32>}, {pipeline_mode = #tpu.pipeline_mode<synchronous>, transform_indices = @transform_11, window_bounds = array<i64: 1, 32>}, {pipeline_mode = #tpu.pipeline_mode<synchronous>, transform_indices = @transform_12, window_bounds = array<i64: 32, 32>}, {pipeline_mode = #tpu.pipeline_mode<synchronous>, transform_indices = @transform_13, window_bounds = array<i64: 1, 32>}, {transform_indices = @transform_14, window_bounds = array<i64: 32, 2048>}]} {
    %iota3A = tpu.iota {dimensions = array<i32: 1>} : vector<2048x128xi32>
    %shift_right_arithmetic3A = arith.constant 5 : i32
    %shift_right_arithmetic3A_0 = vector.broadcast %shift_right_arithmetic3A : i32 to vector<2048x128xi32>
    %shift_right_arithmetic3A_1 = arith.shrsi %iota3A, %shift_right_arithmetic3A_0 : vector<2048x128xi32>
    %get3A = arith.constant 0 : index
    %get3A_2 = arith.constant 0 : index
    %get3A_3 = vector.load %arg2[%get3A, %get3A_2] : memref<2048x1xi32, #tpu.memory_space<vmem>>, vector<2048x1xi32>
    %eq3A = vector.broadcast %get3A_3 : vector<2048x1xi32> to vector<2048x128xi32>
    %eq3A_4 = arith.cmpi eq, %shift_right_arithmetic3A_1, %eq3A : vector<2048x128xi32>
    %convert_element_type3A = arith.extui %eq3A_4 : vector<2048x128xi1> to vector<2048x128xi32>
    %convert_element_type3A_5 = arith.sitofp %convert_element_type3A : vector<2048x128xi32> to vector<2048x128xf32>
    %get3A_6 = arith.constant 0 : index
    %get3A_7 = arith.constant 0 : index
    %get3A_8 = vector.load %arg1[%get3A_6, %get3A_7] : memref<2048x128xf32, #tpu.memory_space<vmem>>, vector<2048x128xf32>
    %mul3A = arith.mulf %get3A_8, %convert_element_type3A_5 : vector<2048x128xf32>
    %iota3A_9 = tpu.iota {dimensions = array<i32: 1>} : vector<2048x64xi32>
    %get3A_10 = arith.constant 0 : index
    %get3A_11 = arith.constant 0 : index
    %get3A_12 = vector.load %arg3[%get3A_10, %get3A_11] : memref<2048x1xi32, #tpu.memory_space<vmem>>, vector<2048x1xi32>
    %eq3A_13 = vector.broadcast %get3A_12 : vector<2048x1xi32> to vector<2048x64xi32>
    %eq3A_14 = arith.cmpi eq, %iota3A_9, %eq3A_13 : vector<2048x64xi32>
    %convert_element_type3A_15 = arith.extui %eq3A_14 : vector<2048x64xi1> to vector<2048x64xi32>
    %convert_element_type3A_16 = arith.sitofp %convert_element_type3A_15 : vector<2048x64xi32> to vector<2048x64xf32>
    %get3A_17 = arith.constant 0 : index
    %get3A_18 = arith.constant 0 : index
    %get3A_19 = vector.load %arg4[%get3A_17, %get3A_18] : memref<64x32xf32, #tpu.memory_space<vmem>>, vector<64x32xf32>
    %dot_general3A = arith.constant dense<0.000000e+00> : vector<2048x32xf32>
    %dot_general3A_20 = tpu.matmul %convert_element_type3A_16, %get3A_19, %dot_general3A {dimension_numbers = #tpu.dot_dimension_numbers<[1], [0], [0], [1], [0, 0, 1, 1], [], []>, transpose_lhs_hint = false} : vector<2048x64xf32>, vector<64x32xf32>, vector<2048x32xf32> -> vector<2048x32xf32>
    %get3A_21 = arith.constant 0 : index
    %get3A_22 = arith.constant 0 : index
    %get3A_23 = vector.load %arg6[%get3A_21, %get3A_22] : memref<2048x8xf32, #tpu.memory_space<vmem>>, vector<2048x8xf32>
    %get3A_24 = arith.constant 0 : index
    %get3A_25 = arith.constant 0 : index
    %get3A_26 = vector.load %arg8[%get3A_24, %get3A_25] : memref<8x32xf32, #tpu.memory_space<vmem>>, vector<8x32xf32>
    %dot_general3A_27 = arith.constant dense<0.000000e+00> : vector<2048x32xf32>
    %dot_general3A_28 = tpu.matmul %get3A_23, %get3A_26, %dot_general3A_27 {dimension_numbers = #tpu.dot_dimension_numbers<[1], [0], [0], [1], [0, 0, 1, 1], [], []>, transpose_lhs_hint = false} : vector<2048x8xf32>, vector<8x32xf32>, vector<2048x32xf32> -> vector<2048x32xf32>
    %get3A_29 = arith.constant 0 : index
    %get3A_30 = arith.constant 0 : index
    %get3A_31 = vector.load %arg9[%get3A_29, %get3A_30] : memref<1x32xf32, #tpu.memory_space<vmem>>, vector<1x32xf32>
    %add3A = vector.broadcast %get3A_31 : vector<1x32xf32> to vector<2048x32xf32>
    %add3A_32 = arith.addf %dot_general3A_28, %add3A : vector<2048x32xf32>
    %get3A_33 = arith.constant 0 : index
    %get3A_34 = arith.constant 0 : index
    %get3A_35 = vector.load %arg7[%get3A_33, %get3A_34] : memref<128x32xf32, #tpu.memory_space<vmem>>, vector<128x32xf32>
    %dot_general3A_36 = arith.constant dense<0.000000e+00> : vector<2048x32xf32>
    %dot_general3A_37 = tpu.matmul %mul3A, %get3A_35, %dot_general3A_36 {dimension_numbers = #tpu.dot_dimension_numbers<[1], [0], [0], [1], [0, 0, 1, 1], [], []>, transpose_lhs_hint = false} : vector<2048x128xf32>, vector<128x32xf32>, vector<2048x32xf32> -> vector<2048x32xf32>
    %get3A_38 = arith.constant 0 : index
    %get3A_39 = arith.constant 0 : index
    %get3A_40 = vector.load %arg7[%get3A_38, %get3A_39] : memref<128x32xf32, #tpu.memory_space<vmem>>, vector<32x32xf32>
    %dot_general3A_41 = arith.constant dense<0.000000e+00> : vector<2048x32xf32>
    %dot_general3A_42 = tpu.matmul %dot_general3A_20, %get3A_40, %dot_general3A_41 {dimension_numbers = #tpu.dot_dimension_numbers<[1], [0], [0], [1], [0, 0, 1, 1], [], []>, transpose_lhs_hint = false} : vector<2048x32xf32>, vector<32x32xf32>, vector<2048x32xf32> -> vector<2048x32xf32>
    %add3A_43 = arith.addf %dot_general3A_37, %dot_general3A_42 : vector<2048x32xf32>
    %get3A_44 = arith.constant 0 : index
    %get3A_45 = arith.constant 0 : index
    %get3A_46 = vector.load %arg5[%get3A_44, %get3A_45] : memref<2048x32xf32, #tpu.memory_space<vmem>>, vector<2048x32xf32>
    %mul3A_47 = arith.constant 5.000000e-02 : f32
    %mul3A_48 = vector.broadcast %mul3A_47 : f32 to vector<2048x32xf32>
    %mul3A_49 = arith.mulf %get3A_46, %mul3A_48 : vector<2048x32xf32>
    %get3A_50 = arith.constant 0 : index
    %get3A_51 = arith.constant 0 : index
    %get3A_52 = vector.load %arg10[%get3A_50, %get3A_51] : memref<32x32xf32, #tpu.memory_space<vmem>>, vector<32x32xf32>
    %dot_general3A_53 = arith.constant dense<0.000000e+00> : vector<2048x32xf32>
    %dot_general3A_54 = tpu.matmul %mul3A_49, %get3A_52, %dot_general3A_53 {dimension_numbers = #tpu.dot_dimension_numbers<[1], [0], [0], [1], [0, 0, 1, 1], [], []>, transpose_lhs_hint = false} : vector<2048x32xf32>, vector<32x32xf32>, vector<2048x32xf32> -> vector<2048x32xf32>
    %add3A_55 = arith.addf %add3A_43, %dot_general3A_54 : vector<2048x32xf32>
    %get3A_56 = arith.constant 0 : index
    %get3A_57 = arith.constant 0 : index
    %get3A_58 = vector.load %arg11[%get3A_56, %get3A_57] : memref<32x32xf32, #tpu.memory_space<vmem>>, vector<32x32xf32>
    %dot_general3A_59 = arith.constant dense<0.000000e+00> : vector<2048x32xf32>
    %dot_general3A_60 = tpu.matmul %add3A_32, %get3A_58, %dot_general3A_59 {dimension_numbers = #tpu.dot_dimension_numbers<[1], [0], [0], [1], [0, 0, 1, 1], [], []>, transpose_lhs_hint = false} : vector<2048x32xf32>, vector<32x32xf32>, vector<2048x32xf32> -> vector<2048x32xf32>
    %add3A_61 = arith.addf %add3A_55, %dot_general3A_60 : vector<2048x32xf32>
    %get3A_62 = arith.constant 0 : index
    %get3A_63 = arith.constant 0 : index
    %get3A_64 = vector.load %arg12[%get3A_62, %get3A_63] : memref<1x32xf32, #tpu.memory_space<vmem>>, vector<1x32xf32>
    %add3A_65 = vector.broadcast %get3A_64 : vector<1x32xf32> to vector<2048x32xf32>
    %add3A_66 = arith.addf %add3A_61, %add3A_65 : vector<2048x32xf32>
    %max3A = arith.constant 0.000000e+00 : f32
    %max3A_67 = vector.broadcast %max3A : f32 to vector<2048x32xf32>
    %max3A_68 = arith.maximumf %add3A_66, %max3A_67 : vector<2048x32xf32>
    %get3A_69 = arith.constant 0 : index
    %get3A_70 = arith.constant 0 : index
    %get3A_71 = vector.load %arg13[%get3A_69, %get3A_70] : memref<32x32xf32, #tpu.memory_space<vmem>>, vector<32x32xf32>
    %dot_general3A_72 = arith.constant dense<0.000000e+00> : vector<2048x32xf32>
    %dot_general3A_73 = tpu.matmul %max3A_68, %get3A_71, %dot_general3A_72 {dimension_numbers = #tpu.dot_dimension_numbers<[1], [0], [0], [1], [0, 0, 1, 1], [], []>, transpose_lhs_hint = false} : vector<2048x32xf32>, vector<32x32xf32>, vector<2048x32xf32> -> vector<2048x32xf32>
    %get3A_74 = arith.constant 0 : index
    %get3A_75 = arith.constant 0 : index
    %get3A_76 = vector.load %arg14[%get3A_74, %get3A_75] : memref<1x32xf32, #tpu.memory_space<vmem>>, vector<1x32xf32>
    %add3A_77 = vector.broadcast %get3A_76 : vector<1x32xf32> to vector<2048x32xf32>
    %add3A_78 = arith.addf %dot_general3A_73, %add3A_77 : vector<2048x32xf32>
    %transpose3A = tpu.transpose %add3A_78, [1, 0] : vector<2048x32xf32> -> vector<32x2048xf32>
    %swap3A = arith.constant 0 : index
    %swap3A_79 = arith.constant 0 : index
    %swap3A_80 = vector.load %arg15[%swap3A, %swap3A_79] : memref<32x2048xf32, #tpu.memory_space<vmem>>, vector<32x2048xf32>
    tpu.vector_store %arg15[%swap3A, %swap3A_79], %transpose3A {strides = array<i32>} : memref<32x2048xf32, #tpu.memory_space<vmem>>, vector<32x2048xf32>,
    return
  }
  func.func @transform_0(%arg0: i32) -> (i32, i32) {
    %c0_i32 = arith.constant 0 : i32
    %c0_i32_0 = arith.constant 0 : i32
    return %arg0, %c0_i32 : i32, i32
  }
  func.func @transform_1(%arg0: i32) -> (i32, i32) {
    %c0_i32 = arith.constant 0 : i32
    %c0_i32_0 = arith.constant 0 : i32
    return %arg0, %c0_i32 : i32, i32
  }
  func.func @transform_2(%arg0: i32) -> (i32, i32) {
    %c0_i32 = arith.constant 0 : i32
    %c0_i32_0 = arith.constant 0 : i32
    return %arg0, %c0_i32 : i32, i32
  }
  func.func @transform_3(%arg0: i32) -> (i32, i32) {
    %c0_i32 = arith.constant 0 : i32
    %c0_i32_0 = arith.constant 0 : i32
    %c0_i32_1 = arith.constant 0 : i32
    return %c0_i32, %c0_i32_0 : i32, i32
  }
  func.func @transform_4(%arg0: i32) -> (i32, i32) {
    %c0_i32 = arith.constant 0 : i32
    %c0_i32_0 = arith.constant 0 : i32
    return %arg0, %c0_i32 : i32, i32
  }
  func.func @transform_5(%arg0: i32) -> (i32, i32) {
    %c0_i32 = arith.constant 0 : i32
    %c0_i32_0 = arith.constant 0 : i32
    return %arg0, %c0_i32 : i32, i32
  }
  func.func @transform_6(%arg0: i32) -> (i32, i32) {
    %c0_i32 = arith.constant 0 : i32
    %c0_i32_0 = arith.constant 0 : i32
    %c0_i32_1 = arith.constant 0 : i32
    return %c0_i32, %c0_i32_0 : i32, i32
  }
  func.func @transform_7(%arg0: i32) -> (i32, i32) {
    %c0_i32 = arith.constant 0 : i32
    %c0_i32_0 = arith.constant 0 : i32
    %c0_i32_1 = arith.constant 0 : i32
    return %c0_i32, %c0_i32_0 : i32, i32
  }
  func.func @transform_8(%arg0: i32) -> (i32, i32) {
    %c0_i32 = arith.constant 0 : i32
    %c0_i32_0 = arith.constant 0 : i32
    %c0_i32_1 = arith.constant 0 : i32
    return %c0_i32, %c0_i32_0 : i32, i32
  }
  func.func @transform_9(%arg0: i32) -> (i32, i32) {
    %c0_i32 = arith.constant 0 : i32
    %c0_i32_0 = arith.constant 0 : i32
    %c0_i32_1 = arith.constant 0 : i32
    return %c0_i32, %c0_i32_0 : i32, i32
  }
  func.func @transform_10(%arg0: i32) -> (i32, i32) {
    %c0_i32 = arith.constant 0 : i32
    %c0_i32_0 = arith.constant 0 : i32
    %c0_i32_1 = arith.constant 0 : i32
    return %c0_i32, %c0_i32_0 : i32, i32
  }
  func.func @transform_11(%arg0: i32) -> (i32, i32) {
    %c0_i32 = arith.constant 0 : i32
    %c0_i32_0 = arith.constant 0 : i32
    %c0_i32_1 = arith.constant 0 : i32
    return %c0_i32, %c0_i32_0 : i32, i32
  }
  func.func @transform_12(%arg0: i32) -> (i32, i32) {
    %c0_i32 = arith.constant 0 : i32
    %c0_i32_0 = arith.constant 0 : i32
    %c0_i32_1 = arith.constant 0 : i32
    return %c0_i32, %c0_i32_0 : i32, i32
  }
  func.func @transform_13(%arg0: i32) -> (i32, i32) {
    %c0_i32 = arith.constant 0 : i32
    %c0_i32_0 = arith.constant 0 : i32
    %c0_i32_1 = arith.constant 0 : i32
    return %c0_i32, %c0_i32_0 : i32, i32
  }
  func.func @transform_14(%arg0: i32) -> (i32, i32) {
    %c0_i32 = arith.constant 0 : i32
    %c0_i32_0 = arith.constant 0 : i32
    return %c0_i32, %arg0 : i32, i32
  }
}

</mosaic_0001>

<sc_bundles>
// kernel: kernel.6.cloned.1.call-start
scs
__scs_entry_jumppad:
0x0: {  	(pc) =	sbr.rel $0x88, $3  }
0x1: {  	(tag) =	ssettag $0x0;
	lr =	simm.s32 $0x1  }
0x2: {  	[smem:$0x3F96] =	sst lr;
	_ =	strace $0xD0000000  }
0x3: {  	_ = 	snop  }
0x4: {  	_ = 	snop  }
0x5: {  	_ = 	snop  }
0x6: {  	_ = 	snop  }
0x7: {  	_ = 	snop  }
__scs_overlays_trampoline_lowered:
0x8: {  	[smem:$0x3FA5] =	sst s0  }
0x9: {  	[smem:$0x3FA6] =	sst s1  }
0xa: {  	[smem:$0x3FA7] =	sst s2  }
0xb: {  	[smem:$0x3FA8] =	sst s3  }
0xc: {  	[smem:$0x3FA9] =	sst s4  }
0xd: {  	[smem:$0x3FAA] =	sst s5  }
0xe: {  	[smem:$0x3FAB] =	sst s6  }
0xf: {  	[smem:$0x3FAC] =	sst s7  }
0x10: {  	[smem:$0x3FAD] =	sst s8  }
0x11: {  	[smem:$0x3FAE] =	sst s9;
	s0 =	simm.s32 @!p0 $0x0  }
0x12: {  	s1 =	sld [smem:$0x3F94];
	s0 =	simm.s32 @p0 $0x1  }
0x13: {  	[smem:$0x3FAF] =	sst s0;
	s0 =	simm.s32 @!p1 $0x0  }
0x14: {  	s2 =	sld [smem:$0x3F93];
	s0 =	simm.s32 @p1 $0x1  }
0x15: {  	[smem:$0x3FB0] =	sst s0;
	s0 =	simm.s32 @!p2 $0x0  }
0x16: {  	s3 =	sld [smem:$0x3FDB];
	s0 =	simm.s32 @p2 $0x1  }
0x17: {  	s4 =	simm.s32 $0x1BF5;
	[smem:$0x3FB2] =	sst s0  }
0x18: {  	s0 =	sld [smem:$0x3F95];
	_ =	swait.ge [sflag:s4], $0x0  }
0x19: {  	s7 =	sld [smem:$0x3F96]  }
0x1a: {  	s8 =	sadd.s32 $0xFFFFE003, lr  }
0x1b: {  	s9 =	sadd.s32 $0xFFFFFEF7, lr;
	s5 =	simm.s32 $0xFFFFFFFF;
	p2 =	slt.u32 s8, $0xFFFFF086  }
0x1c: {  	p1 =	slt.u32 s9, $0xF7A;
	s5 =	simm.s32 @!p2 $0x0  }
0x1d: {  	s5 =	simm.s32 @p1 $0x1;
	p0 =	seq.s32 s7, s2  }
0x1e: {  	s7 =	smul.u32 @!p0 $0xF7A, s2;
	p2 =	seq.s32 @!p0 s5, $0x0  }
0x1f: {  	s9 =	smul.u32 $0xF7A, s1;
	s8 =	simm.s32 @!p0 $0x1BF5;
	p2 =	por !p2, p0  }
0x20: {  	[sflag:s8] =	ssyncset.s32 @!p0 $0xFFFFF086;
	s6 =	sadd.s32 @!p0 s3, s7;
	s7 =	simm.s32 @!p0 $0x108  }
0x21: {  	s3 =	sadd.s32 s3, s9;
	s6 =	sadd.s32 @!p0 $0x88, s6;
	s7 =	simm.s32 @p2 $0x1082  }
0x22: {  	[simem:s7], [sflag:s8] =	dma.local @!p0 [hbm:s6], $0xF7A  }
0x23: {  	s9 =	sor.u32 $0xD0000000, s2;
	s6 =	simm.s32 $0x108;
	_ =	swait.ge @!p0 [sflag:s8], $0x0  }
0x24: {  	s3 =	sadd.s32 $0x88, s3;
	s6 =	simm.s32 @!p1 $0x1082;
	[sflag:s4] =	ssyncset.s32 $0xFFFFF086  }
0x25: {  	[simem:s6], [sflag:s4] =	dma.local [hbm:s3], $0xF7A  }
0x26: {  	[smem:$0x3F96] =	sst s1;
	(tag) =	ssettag s2;
	_ =	strace s9  }
0x27: {  	s1 =	sld [smem:$0x3FA6]  }
0x28: {  	s2 =	sld [smem:$0x3FA7]  }
0x29: {  	s4 =	sld [smem:$0x3FA9]  }
0x2a: {  	p0 =	seq.s32 s5, $0x0;
	s5 =	sld [smem:$0x3FAA]  }
0x2b: {  	s6 =	sld [smem:$0x3FAB]  }
0x2c: {  	s7 =	sld [smem:$0x3FAC]  }
0x2d: {  	s3 =	simm.s32 $0x108;
	s8 =	sld [smem:$0x3FAD]  }
0x2e: {  	s3 =	simm.s32 @!p0 $0x1082;
	s9 =	sld [smem:$0x3FAE]  }
0x2f: {  	lr =	sadd.s32 s0, s3;
	s0 =	sld [smem:$0x3FA5]  }
0x30: {  	s3 =	sld [smem:$0x3FA8]  }
0x31: {  	[smem:$0x3FB1] =	sst s10  }
0x32: {  	s10 =	sld [smem:$0x3FAF];
	_ =	sdelay $0x3  }
0x33: {  	p0 =	seq.s32 s10, $0x1;
	s10 =	sld [smem:$0x3FB1];
	_ =	sdelay $0x3  }
0x34: {  	[smem:$0x3FB1] =	sst s10  }
0x35: {  	s10 =	sld [smem:$0x3FB0];
	_ =	sdelay $0x3  }
0x36: {  	p1 =	seq.s32 s10, $0x1;
	s10 =	sld [smem:$0x3FB1];
	_ =	sdelay $0x3  }
0x37: {  	[smem:$0x3FB1] =	sst s10  }
0x38: {  	s10 =	sld [smem:$0x3FB2]  }
0x39: {  	_ = 	snop;
	(pc) =	sbr.ind lr, $3  }
0x3a: {  	_ = 	snop  }
0x3b: {  	_ = 	snop  }
0x3c: {  	p2 =	seq.s32 s10, $0x1;
	s10 =	sld [smem:$0x3FB1]  }
0x3d: {  	_ =	shalt  }
0x3e: {  	_ =	shalt  }
0x3f: {  	_ =	shalt  }
0x40: {  	_ =	shalt  }
0x41: {  	_ =	shalt  }
0x42: {  	_ =	shalt  }
0x43: {  	_ =	shalt  }
0x44: {  	_ =	shalt  }
0x45: {  	_ =	shalt  }
0x46: {  	_ =	shalt  }
0x47: {  	_ =	shalt  }
0x48: {  	_ =	shalt  }
0x49: {  	_ =	shalt  }
0x4a: {  	_ =	shalt  }
0x4b: {  	_ =	shalt  }
0x4c: {  	_ =	shalt  }
0x4d: {  	_ =	shalt  }
0x4e: {  	_ =	shalt  }
0x4f: {  	_ =	shalt  }
0x50: {  	_ =	shalt  }
0x51: {  	_ =	shalt  }
0x52: {  	_ =	shalt  }
0x53: {  	_ =	shalt  }
0x54: {  	_ =	shalt  }
0x55: {  	_ =	shalt  }
0x56: {  	_ =	shalt  }
0x57: {  	_ =	shalt  }
0x58: {  	_ =	shalt  }
0x59: {  	_ =	shalt  }
0x5a: {  	_ =	shalt  }
0x5b: {  	_ =	shalt  }
0x5c: {  	_ =	shalt  }
0x5d: {  	_ =	shalt  }
0x5e: {  	_ =	shalt  }
0x5f: {  	_ =	shalt  }
0x60: {  	_ =	shalt  }
0x61: {  	_ =	shalt  }
0x62: {  	_ =	shalt  }
0x63: {  	_ =	shalt  }
0x64: {  	_ =	shalt  }
0x65: {  	_ =	shalt  }
0x66: {  	_ =	shalt  }
0x67: {  	_ =	shalt  }
0x68: {  	_ =	shalt  }
0x69: {  	_ =	shalt  }
0x6a: {  	_ =	shalt  }
0x6b: {  	_ =	shalt  }
0x6c: {  	_ =	shalt  }
0x6d: {  	_ =	shalt  }
0x6e: {  	_ =	shalt  }
0x6f: {  	_ =	shalt  }
0x70: {  	_ =	shalt  }
0x71: {  	_ =	shalt  }
0x72: {  	_ =	shalt  }
0x73: {  	_ =	shalt  }
0x74: {  	_ =	shalt  }
0x75: {  	_ =	shalt  }
0x76: {  	_ =	shalt  }
0x77: {  	_ =	shalt  }
0x78: {  	_ =	shalt  }
0x79: {  	_ =	shalt  }
0x7a: {  	_ =	shalt  }
0x7b: {  	_ =	shalt  }
0x7c: {  	_ =	shalt  }
0x7d: {  	_ =	shalt  }
0x7e: {  	_ =	shalt  }
0x7f: {  	_ =	shalt  }
0x80: {  	_ =	shalt  }
0x81: {  	_ =	shalt  }
0x82: {  	_ =	shalt  }
0x83: {  	_ =	shalt  }
0x84: {  	_ =	shalt  }
0x85: {  	_ =	shalt  }
0x86: {  	_ =	shalt  }
0x87: {  	_ =	shalt  }
.Lfunc_end0:
.L_simem_size_0:
called_computation_lowered:
.L_overlay_start_0:
0x88: {  	s2 =	sld [smem:$0x3FD9]  }
0x89: {  	s3 =	sld [smem:$0x3FFE];
	_ =	sdelay $0x1  }
0x8a: {  	s1 =	srdreg.scid  }
0x8b: {  	s0 =	sand.u32 $0x1, s1  }
0x8c: {  	s17 =	sshll.u32 s0, $0xA;
	s2 =	sadd.s32 s3, s2  }
0x8d: {  	s2 =	sadd.s32 s2, s17  }
0x8e: {  	[smem:$0x3FBD] =	sst s2  }
0x8f: {  	_ = 	snop  }
0x90: {  	(tm) =	ssettm $0x1  }
0x91: {  	s18 =	sld [smem:$0x3FFB];
	_ =	sdelay $0x3  }
0x92: {  	_ =	strace s18  }
0x93: {  	s2 =	sld [smem:$0x3FFC];
	_ =	sdelay $0x3  }
0x94: {  	_ =	strace s2  }
0x95: {  	s2 =	sld [smem:$0x3FFD];
	_ =	sdelay $0x3  }
0x96: {  	_ =	strace s2  }
0x97: {  	_ =	strace $0x8FFFFFFF  }
0x98: {  	s19 =	sld [smem:$0x3FDB];
	_ =	sdelay $0x1  }
0x99: {  	s20 =	simm.s32 $_scs_section_size  }
0x9a: {  	s4 =	simm.s32 $_size__tile_overlayer_lowered;
	s5 =	simm.s32 $_tile_overlayer_lowered  }
0x9b: {  	s6 =	simm.s32 $0x1BFF;
	s21 =	sshll.u32 s5, $0x1;
	s3 =	sadd.s32 s20, s19  }
0x9c: {  	s22 =	simm.s32 $0x0;
	s4 =	sshll.u32 s4, $0x1;
	s5 =	sadd.s32 s21, s3  }
0x9d: {  	[timem:s22], [sflag:s6] =	dma.local [hbm:s5], s4  }
0x9e: {  	_ =	swait.ge [sflag:s6], s4  }
0x9f: {  	s4 =	ssub.s32 $0x0, s4;
	[sflag:s6] =	ssyncset.done $0x0  }
0xa0: {  	[sflag:s6] =	ssyncadd.s32 s4;
	_ =	sdelay $0x1  }
0xa1: {  	s23 =	simm.s32 $0x1B8B  }
0xa2: {  	_ =	swait.ge [sflag:s23], $0x1  }
0xa3: {  	[sflag:s23] =	ssyncset.done $0x0  }
0xa4: {  	[sflag:s23] =	ssyncadd.s32 $0xFFFFFFFF  }
0xa5: {  	s4 =	sld [smem:$0x0]  }
0xa6: {  	s5 =	sand.u32 $0xFFFFFFFE, s1  }
0xa7: {  	p0 =	sne.s32 s1, s5  }
0xa8: {  	s5 =	sshll.u32 @p0 s5, $0xE  }
0xa9: {  	s5 =	sadd.s32 @p0 $0x11B8D, s5;
	s6 =	sshll.u32 @p0 s4, $0x11  }
0xaa: {  	s5 =	sor.u32 @p0 s6, s5  }
0xab: {  	[sflag:s5] =	ssyncadd.remote.s32 @p0 $0x1;
	_ =	sdelay $0x1  }
0xac: {  	s5 =	simm.s32 @p0 $0x1B8D  }
0xad: {  	_ =	swait.eq @p0 [sflag:s5], $0x1  }
0xae: {  	[sflag:s5] =	ssyncadd.s32 @p0 $0xFFFFFFFF  }
0xaf: {  	s6 =	sshll.u32 @!p0 s1, $0xE  }
0xb0: {  	s6 =	sor.u32 @!p0 $0x4000, s6;
	s5 =	simm.s32 @!p0 $0x1B8D  }
0xb1: {  	s4 =	sshll.u32 @!p0 s4, $0x11;
	s6 =	sadd.s32 @!p0 $0x11B8D, s6;
	_ =	swait.eq @!p0 [sflag:s5], $0x1  }
0xb2: {  	s4 =	sor.u32 @!p0 s4, s6;
	[sflag:s5] =	ssyncadd.s32 @!p0 $0xFFFFFFFF  }
0xb3: {  	s25 =	simm.s32 $0x1B8E;
	s24 =	sld [smem:$0x3FFE];
	[sflag:s4] =	ssyncadd.remote.s32 @!p0 $0x1  }
0xb4: {  	s26 =	simm.s32 $execute0_lowered;
	[smem:$0x3FD2] =	sst s25  }
0xb5: {  	s5 =	sshll.u32 s26, $0x1;
	_ =	strace $0x80000049;
	[dreg:$0x1] =	wrdreg $0xFFFFFFFF  }
0xb6: {  	s28 =	simm.s32 $_size_execute0_lowered;
	s3 =	sadd.s32 s3, s5;
	[dreg:$0x0] =	wrdreg $0x0  }
0xb7: {  	s5 =	sshll.u32 s28, $0x1;
	[dreg:$0x2] =	wrdreg s3  }
0xb8: {  	[dreg:$0x3] =	wrdreg s5  }
0xb9: {  	[dreg:$0x4] =	wrdreg $0xC0  }
0xba: {  	_ =	task [dreg:s22], $0x5FFFF  }
0xbb: {  	[dreg:$0x1] =	wrdreg $0xFFFFFFFF  }
0xbc: {  	[dreg:$0x0] =	wrdreg $0x60  }
0xbd: {  	[dreg:$0x2] =	wrdreg s24  }
0xbe: {  	[dreg:$0x3] =	wrdreg $0x9  }
0xbf: {  	_ =	task.clear_ibuf [dreg:s22], $0x4FFFF;
	_ =	strace $0x90000049  }
0xc0: {  	s29 =	simm.s32 $0x9;
	_ =	strace $0x8000004B  }
0xc1: {  	_ =	swait.ge [sflag:s29], $0x1  }
0xc2: {  	[sflag:s29] =	ssyncadd.s32 $0xFFFFFFFF  }
0xc3: {  	_ =	strace $0x9000004B  }
0xc4: {  	_ =	sfence  }
0xc5: {  	s30 =	sld [smem:$0x0];
	_ =	sdelay $0x2  }
0xc6: {  	s31 =	sshll.u32 s1, $0xD;
	s1 =	sshrl.u32 s1, $0x2  }
0xc7: {  	s4 =	sand.u32 $0x4000, s31;
	s1 =	sadd.s32 s1, s30  }
0xc8: {  	s0 =	sor.u32 s4, s0;
	s1 =	sshll.u32 s1, $0x11  }
0xc9: {  	s0 =	sor.u32 s1, s0  }
0xca: {  	s0 =	sadd.s32 $0x8F2B, s0  }
0xcb: {  	[sflag:s0] =	ssyncadd.remote.s32 $0x1  }
0xcc: {  	_ =	sfence.sel $0xFFFF  }
0xcd: {  	[dreg:$0x0] =	wrdreg $0xFFFFFFFF;
	(pc) =	sbr.abs _section_cstart, $3  }
0xce: {  	[dreg:$0x1] =	wrdreg $0xFFFFFFFF  }
0xcf: {  	_ =	task.clear_ibuf [dreg:s22], $0x2FFFF;
	_ =	strace $0x9FFFFFFF  }
0xd0: {  	(tm) =	ssettm $0x7FFFFFFF  }
0xd1: {  	_ =	shalt  }
tec
execute0_lowered:
.L_overlay_start_1:
0x0: {  	(tag) =	ssettag $0x1  }
0x1: {  	s1 =	srdreg.scid  }
0x2: {  	s0 =	stileid.u32;
	s14 =	sand.u32 $0x1, s1  }
0x3: {  	s29 =	sshll.u32 s0, $0xA;
	s2 =	sshll.u32 s14, $0x9  }
0x4: {  	s15 =	rddreg [dreg:$0x0];
	s16 =	sor.u32 s2, s29  }
0x5: {  	s1 =	rddreg [dreg:$0x1];
	s2 =	simm.s32 $0x0;
	s3 =	sshrl.u32 s16, $0x3  }
0x6: {  	[smem:$0x7FF] =	sst s2;
	s3 =	sadd.s32 s3, s15  }
0x7: {  	_ =	strace $0x8000004A;
	s4 =	sadd.s32 $0xC000, s3;
	s3 =	simm.s32 $0x2  }
0x8: {  	[tilespmem:s2], [sflag:$0x2] =	stream.linear.gather [hbm4b:s4+s2], $0x200, $0x38;
	[tilespmem:$0x10200] =	vst v63  }
0x9: {  	_ =	swait.ge [sflag:s3], $0x200  }
0xa: {  	s6 =	simm.s32 $0x80;
	[sflag:s3] =	ssyncset.done $0x0  }
0xb: {  	s7 =	simm.s32 $0x200;
	s5 =	sadd.s32 $0x1EA800, s15;
	[sflag:s3] =	ssyncadd.s32 $0xFFFFFE00  }
0xc: {  	[tilespmem:s7], [sflag:$0x1] =	stream.indirect.gather [hbm4b:s5+s6], $0x80, s2, s6, $0xb8;
	[tilespmem:$0x10200] =	vst v63  }
0xd: {  	s8 =	simm.s32 $0x4200  }
0xe: {  	[tilespmem:s8], [sflag:$0x1] =	stream.indirect.gather [hbm4b:s5+s6], $0x80, s6, s6, $0xb8;
	[tilespmem:$0x10200] =	vst v63  }
0xf: {  	s9 =	simm.s32 $0x100;
	s10 =	simm.s32 $0x8200  }
0x10: {  	[tilespmem:s10], [sflag:$0x1] =	stream.indirect.gather [hbm4b:s5+s6], $0x80, s9, s6, $0xb8;
	[tilespmem:$0x10200] =	vst v63  }
0x11: {  	s11 =	simm.s32 $0x180;
	s12 =	simm.s32 $0xC200;
	s13 =	simm.s32 $0x1  }
0x12: {  	[tilespmem:s12], [sflag:$0x1] =	stream.indirect.gather [hbm4b:s5+s6], $0x80, s11, s6, $0xb8;
	[tilespmem:$0x10200] =	vst v63  }
0x13: {  	_ =	swait.ge [sflag:s13], $0x4000  }
0x14: {  	[sflag:s13] =	ssyncset.done $0x0  }
0x15: {  	[sflag:s13] =	ssyncadd.s32 $0xFFFFC000  }
0x16: {  	_ =	swait.ge [sflag:s13], $0x4000  }
0x17: {  	[sflag:s13] =	ssyncset.done $0x0  }
0x18: {  	s14 =	ssub.s32 $0x2, s14;
	[sflag:s13] =	ssyncadd.s32 $0xFFFFC000  }
0x19: {  	s17 =	sshrl.u32 s14, $0x1;
	_ =	swait.ge [sflag:s13], $0x4000  }
0x1a: {  	s30 =	ssub.s32 s14, s17;
	[sflag:s13] =	ssyncset.done $0x0  }
0x1b: {  	s31 =	smax.u32 s30, $0x1;
	[sflag:s13] =	ssyncadd.s32 $0xFFFFC000  }
0x1c: {  	s16 =	sshll.u32 s16, $0x4;
	p0 =	sne.s32 s31, $0x1;
	_ =	swait.ge [sflag:s13], $0x4000  }
.Ltmp0:
0x1d: {  	s15 =	sadd.s32 s16, s15;
	[sflag:s13] =	ssyncset.done $0x0;
	(pc) =	sbr.rel @!p0 .LBB2_2-.Ltmp0, $4  }
0x1e: {  	s14 =	sadd.s32 $0xC800, s15;
	[sflag:s13] =	ssyncadd.s32 $0xFFFFC000  }
0x1f: {  	[hbm4b:s14+s2] =	stream.linear.scatter [tilespmem:s7], [sflag:$0x2], $0x10000, $0x38;
	[tilespmem:$0x10200] =	vst v63  }
0x20: {  	_ =	swait.ge [sflag:s3], $0x10000  }
0x21: {  	s15 =	sadd.s32 $0xFFFFFFFF, s31;
	[sflag:s3] =	ssyncset.done $0x0  }
.LBB2_1:
0x22: {  	p0 =	sne.s32 s15, $0x1;
	s15 =	sadd.s32 $0xFFFFFFFF, s15;
	[sflag:s3] =	ssyncadd.s32 $0xFFFF0000  }
0x23: {  	[tilespmem:s2], [sflag:$0x2] =	stream.linear.gather [hbm4b:s4+s2], $0x200, $0x38;
	[tilespmem:$0x10200] =	vst v63  }
0x24: {  	_ =	swait.ge [sflag:s3], $0x200  }
0x25: {  	[sflag:s3] =	ssyncset.done $0x0  }
0x26: {  	[sflag:s3] =	ssyncadd.s32 $0xFFFFFE00  }
0x27: {  	[tilespmem:s7], [sflag:$0x1] =	stream.indirect.gather [hbm4b:s5+s6], $0x80, s2, s6, $0xb8;
	[tilespmem:$0x10200] =	vst v63  }
0x28: {  	_ = 	snop  }
0x29: {  	[tilespmem:s8], [sflag:$0x1] =	stream.indirect.gather [hbm4b:s5+s6], $0x80, s6, s6, $0xb8;
	[tilespmem:$0x10200] =	vst v63  }
0x2a: {  	_ = 	snop  }
0x2b: {  	[tilespmem:s10], [sflag:$0x1] =	stream.indirect.gather [hbm4b:s5+s6], $0x80, s9, s6, $0xb8;
	[tilespmem:$0x10200] =	vst v63  }
0x2c: {  	_ = 	snop  }
0x2d: {  	[tilespmem:s12], [sflag:$0x1] =	stream.indirect.gather [hbm4b:s5+s6], $0x80, s11, s6, $0xb8;
	[tilespmem:$0x10200] =	vst v63  }
0x2e: {  	_ =	swait.ge [sflag:s13], $0x4000  }
0x2f: {  	[sflag:s13] =	ssyncset.done $0x0  }
0x30: {  	[sflag:s13] =	ssyncadd.s32 $0xFFFFC000  }
0x31: {  	_ =	swait.ge [sflag:s13], $0x4000  }
0x32: {  	[sflag:s13] =	ssyncset.done $0x0  }
0x33: {  	[sflag:s13] =	ssyncadd.s32 $0xFFFFC000  }
0x34: {  	_ =	swait.ge [sflag:s13], $0x4000  }
0x35: {  	[sflag:s13] =	ssyncset.done $0x0  }
0x36: {  	[sflag:s13] =	ssyncadd.s32 $0xFFFFC000  }
0x37: {  	_ =	swait.ge [sflag:s13], $0x4000  }
.Ltmp1:
0x38: {  	[sflag:s13] =	ssyncset.done $0x0;
	(pc) =	sbr.rel @p0 .LBB2_1-.Ltmp1, $4  }
0x39: {  	[sflag:s13] =	ssyncadd.s32 $0xFFFFC000  }
0x3a: {  	[hbm4b:s14+s2] =	stream.linear.scatter [tilespmem:s7], [sflag:$0x2], $0x10000, $0x38;
	[tilespmem:$0x10200] =	vst v63  }
0x3b: {  	_ =	swait.ge [sflag:s3], $0x10000  }
0x3c: {  	[sflag:s3] =	ssyncset.done $0x0  }
.LBB2_2:
0x3d: {  	[sflag:s3] =	ssyncadd.s32 $0xFFFF0000  }
0x3e: {  	_ =	sfence.sel $0x180000  }
0x3f: {  	[bflag:$0x0] =	sbarrier.arrive $0xFFFF  }
0x40: {  	p0 =	sne.s32 s0, $0x0;
	_ =	strace $0x9000004A  }
0x41: {  	s0 =	sadd.s32 @!p0 $0x100000, s1;
	[bflag:$0x2] =	sbarrier.arrive $0xFFFF  }
0x42: {  	[sflag:s0] =	ssyncadd.tile.s32 @!p0 $0x1;
	_ =	shalt  }
.Lfunc_end2:
_tile_overlayer_lowered:
.L_overlay_start_2:
0x43: {  	(tag) =	ssettag $0x2  }
0x44: {  	s0 =	rddreg [dreg:$0x0];
	s2 =	stileid.u32  }
0x45: {  	s1 =	rddreg [dreg:$0x1];
	p0 =	sne.s32 s2, $0x0  }
0x46: {  	s3 =	rddreg [dreg:$0x2];
	[bflag:$0x3] =	sbarrier.arrive $0xFFFF;
	s2 =	simm.s32 @!p0 $0x1C02  }
0x47: {  	[timem:s3], [sflag:s2] =	dma.local @!p0 [hbm:s0], s1  }
0x48: {  	s0 =	simm.s32 @!p0 $0x2  }
0x49: {  	_ =	swait.ge @!p0 [sflag:s0], s1  }
0x4a: {  	s1 =	ssub.s32 @!p0 $0x0, s1;
	[sflag:s0] =	ssyncset.done @!p0 $0x0  }
0x4b: {  	[sflag:s0] =	ssyncadd.s32 @!p0 s1  }
0x4c: {  	[bflag:$0x3] =	sbarrier.arrive $0xFFFF  }
0x4d: {  	_ =	shalt  }

// kernel: kernel.9.cloned.1.call-start
scs
__scs_entry_jumppad:
0x0: {  	(pc) =	sbr.rel $0x88, $3  }
0x1: {  	(tag) =	ssettag $0x0;
	lr =	simm.s32 $0x1  }
0x2: {  	[smem:$0x3F96] =	sst lr;
	_ =	strace $0xD0000000  }
0x3: {  	_ = 	snop  }
0x4: {  	_ = 	snop  }
0x5: {  	_ = 	snop  }
0x6: {  	_ = 	snop  }
0x7: {  	_ = 	snop  }
__scs_overlays_trampoline_lowered:
0x8: {  	[smem:$0x3FA5] =	sst s0  }
0x9: {  	[smem:$0x3FA6] =	sst s1  }
0xa: {  	[smem:$0x3FA7] =	sst s2  }
0xb: {  	[smem:$0x3FA8] =	sst s3  }
0xc: {  	[smem:$0x3FA9] =	sst s4  }
0xd: {  	[smem:$0x3FAA] =	sst s5  }
0xe: {  	[smem:$0x3FAB] =	sst s6  }
0xf: {  	[smem:$0x3FAC] =	sst s7  }
0x10: {  	[smem:$0x3FAD] =	sst s8  }
0x11: {  	[smem:$0x3FAE] =	sst s9;
	s0 =	simm.s32 @!p0 $0x0  }
0x12: {  	s1 =	sld [smem:$0x3F94];
	s0 =	simm.s32 @p0 $0x1  }
0x13: {  	[smem:$0x3FAF] =	sst s0;
	s0 =	simm.s32 @!p1 $0x0  }
0x14: {  	s2 =	sld [smem:$0x3F93];
	s0 =	simm.s32 @p1 $0x1  }
0x15: {  	[smem:$0x3FB0] =	sst s0;
	s0 =	simm.s32 @!p2 $0x0  }
0x16: {  	s3 =	sld [smem:$0x3FDB];
	s0 =	simm.s32 @p2 $0x1  }
0x17: {  	s4 =	simm.s32 $0x1BF5;
	[smem:$0x3FB2] =	sst s0  }
0x18: {  	s0 =	sld [smem:$0x3F95];
	_ =	swait.ge [sflag:s4], $0x0  }
0x19: {  	s7 =	sld [smem:$0x3F96]  }
0x1a: {  	s8 =	sadd.s32 $0xFFFFE003, lr  }
0x1b: {  	s9 =	sadd.s32 $0xFFFFFEF7, lr;
	s5 =	simm.s32 $0xFFFFFFFF;
	p2 =	slt.u32 s8, $0xFFFFF086  }
0x1c: {  	p1 =	slt.u32 s9, $0xF7A;
	s5 =	simm.s32 @!p2 $0x0  }
0x1d: {  	s5 =	simm.s32 @p1 $0x1;
	p0 =	seq.s32 s7, s2  }
0x1e: {  	s7 =	smul.u32 @!p0 $0xF7A, s2;
	p2 =	seq.s32 @!p0 s5, $0x0  }
0x1f: {  	s9 =	smul.u32 $0xF7A, s1;
	s8 =	simm.s32 @!p0 $0x1BF5;
	p2 =	por !p2, p0  }
0x20: {  	[sflag:s8] =	ssyncset.s32 @!p0 $0xFFFFF086;
	s6 =	sadd.s32 @!p0 s3, s7;
	s7 =	simm.s32 @!p0 $0x108  }
0x21: {  	s3 =	sadd.s32 s3, s9;
	s6 =	sadd.s32 @!p0 $0x88, s6;
	s7 =	simm.s32 @p2 $0x1082  }
0x22: {  	[simem:s7], [sflag:s8] =	dma.local @!p0 [hbm:s6], $0xF7A  }
0x23: {  	s9 =	sor.u32 $0xD0000000, s2;
	s6 =	simm.s32 $0x108;
	_ =	swait.ge @!p0 [sflag:s8], $0x0  }
0x24: {  	s3 =	sadd.s32 $0x88, s3;
	s6 =	simm.s32 @!p1 $0x1082;
	[sflag:s4] =	ssyncset.s32 $0xFFFFF086  }
0x25: {  	[simem:s6], [sflag:s4] =	dma.local [hbm:s3], $0xF7A  }
0x26: {  	[smem:$0x3F96] =	sst s1;
	(tag) =	ssettag s2;
	_ =	strace s9  }
0x27: {  	s1 =	sld [smem:$0x3FA6]  }
0x28: {  	s2 =	sld [smem:$0x3FA7]  }
0x29: {  	s4 =	sld [smem:$0x3FA9]  }
0x2a: {  	p0 =	seq.s32 s5, $0x0;
	s5 =	sld [smem:$0x3FAA]  }
0x2b: {  	s6 =	sld [smem:$0x3FAB]  }
0x2c: {  	s7 =	sld [smem:$0x3FAC]  }
0x2d: {  	s3 =	simm.s32 $0x108;
	s8 =	sld [smem:$0x3FAD]  }
0x2e: {  	s3 =	simm.s32 @!p0 $0x1082;
	s9 =	sld [smem:$0x3FAE]  }
0x2f: {  	lr =	sadd.s32 s0, s3;
	s0 =	sld [smem:$0x3FA5]  }
0x30: {  	s3 =	sld [smem:$0x3FA8]  }
0x31: {  	[smem:$0x3FB1] =	sst s10  }
0x32: {  	s10 =	sld [smem:$0x3FAF];
	_ =	sdelay $0x3  }
0x33: {  	p0 =	seq.s32 s10, $0x1;
	s10 =	sld [smem:$0x3FB1];
	_ =	sdelay $0x3  }
0x34: {  	[smem:$0x3FB1] =	sst s10  }
0x35: {  	s10 =	sld [smem:$0x3FB0];
	_ =	sdelay $0x3  }
0x36: {  	p1 =	seq.s32 s10, $0x1;
	s10 =	sld [smem:$0x3FB1];
	_ =	sdelay $0x3  }
0x37: {  	[smem:$0x3FB1] =	sst s10  }
0x38: {  	s10 =	sld [smem:$0x3FB2]  }
0x39: {  	_ = 	snop;
	(pc) =	sbr.ind lr, $3  }
0x3a: {  	_ = 	snop  }
0x3b: {  	_ = 	snop  }
0x3c: {  	p2 =	seq.s32 s10, $0x1;
	s10 =	sld [smem:$0x3FB1]  }
0x3d: {  	_ =	shalt  }
0x3e: {  	_ =	shalt  }
0x3f: {  	_ =	shalt  }
0x40: {  	_ =	shalt  }
0x41: {  	_ =	shalt  }
0x42: {  	_ =	shalt  }
0x43: {  	_ =	shalt  }
0x44: {  	_ =	shalt  }
0x45: {  	_ =	shalt  }
0x46: {  	_ =	shalt  }
0x47: {  	_ =	shalt  }
0x48: {  	_ =	shalt  }
0x49: {  	_ =	shalt  }
0x4a: {  	_ =	shalt  }
0x4b: {  	_ =	shalt  }
0x4c: {  	_ =	shalt  }
0x4d: {  	_ =	shalt  }
0x4e: {  	_ =	shalt  }
0x4f: {  	_ =	shalt  }
0x50: {  	_ =	shalt  }
0x51: {  	_ =	shalt  }
0x52: {  	_ =	shalt  }
0x53: {  	_ =	shalt  }
0x54: {  	_ =	shalt  }
0x55: {  	_ =	shalt  }
0x56: {  	_ =	shalt  }
0x57: {  	_ =	shalt  }
0x58: {  	_ =	shalt  }
0x59: {  	_ =	shalt  }
0x5a: {  	_ =	shalt  }
0x5b: {  	_ =	shalt  }
0x5c: {  	_ =	shalt  }
0x5d: {  	_ =	shalt  }
0x5e: {  	_ =	shalt  }
0x5f: {  	_ =	shalt  }
0x60: {  	_ =	shalt  }
0x61: {  	_ =	shalt  }
0x62: {  	_ =	shalt  }
0x63: {  	_ =	shalt  }
0x64: {  	_ =	shalt  }
0x65: {  	_ =	shalt  }
0x66: {  	_ =	shalt  }
0x67: {  	_ =	shalt  }
0x68: {  	_ =	shalt  }
0x69: {  	_ =	shalt  }
0x6a: {  	_ =	shalt  }
0x6b: {  	_ =	shalt  }
0x6c: {  	_ =	shalt  }
0x6d: {  	_ =	shalt  }
0x6e: {  	_ =	shalt  }
0x6f: {  	_ =	shalt  }
0x70: {  	_ =	shalt  }
0x71: {  	_ =	shalt  }
0x72: {  	_ =	shalt  }
0x73: {  	_ =	shalt  }
0x74: {  	_ =	shalt  }
0x75: {  	_ =	shalt  }
0x76: {  	_ =	shalt  }
0x77: {  	_ =	shalt  }
0x78: {  	_ =	shalt  }
0x79: {  	_ =	shalt  }
0x7a: {  	_ =	shalt  }
0x7b: {  	_ =	shalt  }
0x7c: {  	_ =	shalt  }
0x7d: {  	_ =	shalt  }
0x7e: {  	_ =	shalt  }
0x7f: {  	_ =	shalt  }
0x80: {  	_ =	shalt  }
0x81: {  	_ =	shalt  }
0x82: {  	_ =	shalt  }
0x83: {  	_ =	shalt  }
0x84: {  	_ =	shalt  }
0x85: {  	_ =	shalt  }
0x86: {  	_ =	shalt  }
0x87: {  	_ =	shalt  }
.Lfunc_end0:
.L_simem_size_0:
called_computation.1_lowered:
.L_overlay_start_0:
0x88: {  	s2 =	sld [smem:$0x3FD9]  }
0x89: {  	s3 =	sld [smem:$0x3FFE];
	_ =	sdelay $0x1  }
0x8a: {  	s1 =	srdreg.scid  }
0x8b: {  	s0 =	sand.u32 $0x1, s1  }
0x8c: {  	s17 =	sshll.u32 s0, $0xA;
	s2 =	sadd.s32 s3, s2  }
0x8d: {  	s2 =	sadd.s32 s2, s17  }
0x8e: {  	[smem:$0x3FBD] =	sst s2  }
0x8f: {  	_ = 	snop  }
0x90: {  	s2 =	sld [smem:$0x3FD0];
	(tm) =	ssettm $0x1  }
0x91: {  	s18 =	sld [smem:$0x3FFB];
	_ =	sdelay $0x3  }
0x92: {  	_ =	strace s18  }
0x93: {  	s3 =	sld [smem:$0x3FFC];
	_ =	sdelay $0x3  }
0x94: {  	_ =	strace s3  }
0x95: {  	s3 =	sld [smem:$0x3FFD];
	_ =	sdelay $0x3  }
0x96: {  	_ =	strace s3  }
0x97: {  	_ =	strace $0x8FFFFFFF  }
0x98: {  	s19 =	sld [smem:$0x3FDB];
	_ =	sdelay $0x1  }
0x99: {  	s4 =	simm.s32 $_scs_section_size  }
0x9a: {  	s5 =	simm.s32 $_size__tile_overlayer_lowered;
	s6 =	simm.s32 $_tile_overlayer_lowered  }
0x9b: {  	s22 =	simm.s32 $0x1BFF;
	s21 =	sshll.u32 s6, $0x1;
	s3 =	sadd.s32 s4, s19  }
0x9c: {  	s7 =	simm.s32 $0x0;
	s20 =	sshll.u32 s5, $0x1;
	s5 =	sadd.s32 s21, s3  }
0x9d: {  	[timem:s7], [sflag:s22] =	dma.local [hbm:s5], s20  }
0x9e: {  	_ =	swait.ge [sflag:s22], s20  }
0x9f: {  	s4 =	ssub.s32 $0x0, s20;
	[sflag:s22] =	ssyncset.done $0x0  }
0xa0: {  	[sflag:s22] =	ssyncadd.s32 s4;
	_ =	sdelay $0x1  }
0xa1: {  	s23 =	simm.s32 $0x1B8B  }
0xa2: {  	_ =	swait.ge [sflag:s23], $0x1  }
0xa3: {  	[sflag:s23] =	ssyncset.done $0x0  }
0xa4: {  	s25 =	simm.s32 $0x1B8E;
	s24 =	sld [smem:$0x3FFE];
	[sflag:s23] =	ssyncadd.s32 $0xFFFFFFFF  }
0xa5: {  	s26 =	simm.s32 $execute0_lowered;
	[smem:$0x3FD2] =	sst s25  }
0xa6: {  	s5 =	sshll.u32 s26, $0x1;
	_ =	strace $0x80000046;
	[dreg:$0x1] =	wrdreg $0xFFFFFFFF  }
0xa7: {  	s28 =	simm.s32 $_size_execute0_lowered;
	s3 =	sadd.s32 s3, s5;
	[dreg:$0x0] =	wrdreg $0x0  }
0xa8: {  	s5 =	sshll.u32 s28, $0x1;
	[dreg:$0x2] =	wrdreg s3  }
0xa9: {  	[dreg:$0x3] =	wrdreg s5  }
0xaa: {  	[dreg:$0x4] =	wrdreg $0xC0  }
0xab: {  	_ =	task [dreg:s7], $0x5FFFF  }
0xac: {  	[dreg:$0x1] =	wrdreg $0xFFFFFFFF  }
0xad: {  	[dreg:$0x0] =	wrdreg $0x60  }
0xae: {  	[dreg:$0x2] =	wrdreg s24  }
0xaf: {  	[dreg:$0x3] =	wrdreg s2  }
0xb0: {  	[dreg:$0x4] =	wrdreg $0xA  }
0xb1: {  	_ =	task.clear_ibuf [dreg:s7], $0x5FFFF;
	_ =	strace $0x90000046  }
0xb2: {  	s29 =	simm.s32 $0xA;
	_ =	strace $0x80000048  }
0xb3: {  	_ =	swait.ge [sflag:s29], $0x1  }
0xb4: {  	[sflag:s29] =	ssyncadd.s32 $0xFFFFFFFF  }
0xb5: {  	_ =	strace $0x90000048  }
0xb6: {  	_ =	sfence  }
0xb7: {  	s30 =	sld [smem:$0x0];
	_ =	sdelay $0x2  }
0xb8: {  	s31 =	sshll.u32 s1, $0xD;
	s1 =	sshrl.u32 s1, $0x2  }
0xb9: {  	s3 =	sand.u32 $0x4000, s31;
	s1 =	sadd.s32 s1, s30  }
0xba: {  	s0 =	sor.u32 s3, s0;
	s1 =	sshll.u32 s1, $0x11  }
0xbb: {  	s0 =	sor.u32 s1, s0  }
0xbc: {  	s0 =	sadd.s32 $0x8F2B, s0  }
0xbd: {  	[sflag:s0] =	ssyncadd.remote.s32 $0x1  }
0xbe: {  	_ =	sfence.sel $0xFFFF  }
0xbf: {  	[dreg:$0x0] =	wrdreg $0xFFFFFFFF;
	(pc) =	sbr.abs _section_cstart, $3  }
0xc0: {  	[dreg:$0x1] =	wrdreg $0xFFFFFFFF  }
0xc1: {  	_ =	task.clear_ibuf [dreg:s7], $0x2FFFF;
	_ =	strace $0x9FFFFFFF  }
0xc2: {  	(tm) =	ssettm $0x7FFFFFFF  }
0xc3: {  	_ =	shalt  }
tec
execute0_lowered:
.L_overlay_start_1:
0x0: {  	(tag) =	ssettag $0x1  }
0x1: {  	s1 =	srdreg.scid;
	s3 =	rddreg [dreg:$0x0]  }
0x2: {  	s0 =	stileid.u32;
	s5 =	rddreg [dreg:$0x1];
	s2 =	simm.s32 $0x0  }
0x3: {  	s9 =	simm.s32 $0x2800;
	s10 =	simm.s32 $0x3800;
	s11 =	simm.s32 $0x100  }
0x4: {  	s12 =	simm.s32 $0x4800;
	s13 =	simm.s32 $0x180;
	s14 =	simm.s32 $0x5800  }
0x5: {  	s15 =	simm.s32 $0x1;
	s16 =	simm.s32 $0x6800;
	s17 =	simm.s32 $0x7800  }
0x6: {  	s18 =	simm.s32 $0x8800;
	s19 =	simm.s32 $0x9800;
	s20 =	simm.s32 $0x0  }
0x7: {  	s4 =	sand.u32 $0x1, s1;
	s31 =	sshll.u32 s0, $0x1;
	s1 =	rddreg [dreg:$0x2]  }
0x8: {  	[smem:$0x7FF] =	sst s2;
	s6 =	sor.u32 s4, s31;
	s4 =	ssub.s32 $0x2, s4  }
0x9: {  	s7 =	smul.u32 $0x500, s6;
	s8 =	sshrl.u32 s4, $0x1;
	s6 =	sshll.u32 s6, $0xB  }
0xa: {  	_ =	strace $0x80000047;
	s8 =	ssub.s32 s4, s8;
	s5 =	sadd.s32 s5, s6  }
0xb: {  	s7 =	sadd.s32 s7, s3;
	s3 =	sadd.s32 $0x188C00, s3;
	s6 =	smax.u32 s8, $0x1  }
0xc: {  	s8 =	simm.s32 $0x80;
	s4 =	sadd.s32 $0x2000, s7;
	s7 =	simm.s32 $0x2  }
.LBB2_1:
0xd: {  	[tilespmem:s2], [sflag:$0x2] =	stream.linear.gather [hbm4b:s4+s2], $0x2800, $0x38;
	[tilespmem:$0xA800] =	vst v63  }
0xe: {  	_ =	swait.ge [sflag:s7], $0x2800  }
0xf: {  	[sflag:s7] =	ssyncset.done $0x0  }
0x10: {  	[sflag:s7] =	ssyncadd.s32 $0xFFFFD800  }
0x11: {  	[tilespmem:s9], [sflag:$0x1] =	stream.indirect.gather [hbm4b:s3+s8], $0x20, s2, s8, $0xb8;
	[tilespmem:$0xA800] =	vst v63  }
0x12: {  	_ = 	snop  }
0x13: {  	[tilespmem:s10], [sflag:$0x1] =	stream.indirect.gather [hbm4b:s3+s8], $0x20, s8, s8, $0xb8;
	[tilespmem:$0xA800] =	vst v63  }
0x14: {  	_ = 	snop  }
0x15: {  	[tilespmem:s12], [sflag:$0x1] =	stream.indirect.gather [hbm4b:s3+s8], $0x20, s11, s8, $0xb8;
	[tilespmem:$0xA800] =	vst v63  }
0x16: {  	_ = 	snop  }
0x17: {  	[tilespmem:s14], [sflag:$0x1] =	stream.indirect.gather [hbm4b:s3+s8], $0x20, s13, s8, $0xb8;
	[tilespmem:$0xA800] =	vst v63  }
0x18: {  	_ =	swait.ge [sflag:s15], $0x1000  }
0x19: {  	[sflag:s15] =	ssyncset.done $0x0  }
0x1a: {  	[sflag:s15] =	ssyncadd.s32 $0xFFFFF000  }
0x1b: {  	_ =	swait.ge [sflag:s15], $0x1000  }
0x1c: {  	[sflag:s15] =	ssyncset.done $0x0  }
0x1d: {  	[sflag:s15] =	ssyncadd.s32 $0xFFFFF000  }
0x1e: {  	_ =	swait.ge [sflag:s15], $0x1000  }
0x1f: {  	[sflag:s15] =	ssyncset.done $0x0  }
0x20: {  	[sflag:s15] =	ssyncadd.s32 $0xFFFFF000  }
0x21: {  	_ =	swait.ge [sflag:s15], $0x1000  }
0x22: {  	[sflag:s15] =	ssyncset.done $0x0  }
0x23: {  	s21 =	simm.s32 $0x0;
	[sflag:s15] =	ssyncadd.s32 $0xFFFFF000  }
.LBB2_3:
0x24: {  	s21 =	sadd.s32 $0x1, s21  }
0x25: {  	s22 =	sshll.u32 s21, $0x9  }
0x26: {  	s22 =	sand.u32 $0x3FFFFE00, s22  }
0x27: {  	[tilespmem:s16], [sflag:$0x1] =	stream.indirect.gather [hbm4b:s3+s8], $0x20, s22, s8, $0xb8;
	[tilespmem:$0xA800] =	vst v63  }
0x28: {  	s23 =	sor.u32 $0x80, s22  }
0x29: {  	[tilespmem:s17], [sflag:$0x1] =	stream.indirect.gather [hbm4b:s3+s8], $0x20, s23, s8, $0xb8;
	[tilespmem:$0xA800] =	vst v63  }
0x2a: {  	s31 =	sor.u32 $0x100, s22  }
0x2b: {  	[tilespmem:s18], [sflag:$0x1] =	stream.indirect.gather [hbm4b:s3+s8], $0x20, s31, s8, $0xb8;
	[tilespmem:$0xA800] =	vst v63  }
0x2c: {  	s22 =	sor.u32 $0x180, s22  }
0x2d: {  	[tilespmem:s19], [sflag:$0x1] =	stream.indirect.gather [hbm4b:s3+s8], $0x20, s22, s8, $0xb8;
	[tilespmem:$0xA800] =	vst v63  }
0x2e: {  	_ =	swait.ge [sflag:s15], $0x1000  }
0x2f: {  	[sflag:s15] =	ssyncset.done $0x0  }
0x30: {  	[sflag:s15] =	ssyncadd.s32 $0xFFFFF000  }
0x31: {  	_ =	swait.ge [sflag:s15], $0x1000  }
0x32: {  	[sflag:s15] =	ssyncset.done $0x0  }
0x33: {  	[sflag:s15] =	ssyncadd.s32 $0xFFFFF000  }
0x34: {  	_ =	swait.ge [sflag:s15], $0x1000  }
0x35: {  	[sflag:s15] =	ssyncset.done $0x0  }
0x36: {  	[sflag:s15] =	ssyncadd.s32 $0xFFFFF000  }
0x37: {  	_ =	swait.ge [sflag:s15], $0x1000  }
0x38: {  	[sflag:s15] =	ssyncset.done $0x0  }
0x39: {  	s22 =	simm.s32 $0x0;
	[sflag:s15] =	ssyncadd.s32 $0xFFFFF000  }
0x3a: {  	v0 =	vld [tilespmem:s22+$0x6870]  }
0x3b: {  	v1 =	vld [tilespmem:s22+$0x6800]  }
0x3c: {  	v2 =	vld [tilespmem:s22+$0x6810]  }
0x3d: {  	v3 =	vld [tilespmem:s22+$0x6820]  }
0x3e: {  	v4 =	vld [tilespmem:s22+$0x6830]  }
0x3f: {  	v5 =	vld [tilespmem:s22+$0x6840]  }
0x40: {  	v6 =	vld [tilespmem:s22+$0x6850]  }
0x41: {  	[tilespmem:s22+$0x2870] =	vst.add.f32.msk $0xffff, v0  }
0x42: {  	v0 =	vld [tilespmem:s22+$0x6860]  }
0x43: {  	[tilespmem:s22+$0x2800] =	vst.add.f32.msk $0xffff, v1  }
0x44: {  	[tilespmem:s22+$0x2810] =	vst.add.f32.msk $0xffff, v2  }
0x45: {  	[tilespmem:s22+$0x2820] =	vst.add.f32.msk $0xffff, v3  }
0x46: {  	[tilespmem:s22+$0x2830] =	vst.add.f32.msk $0xffff, v4  }
0x47: {  	[tilespmem:s22+$0x2840] =	vst.add.f32.msk $0xffff, v5  }
0x48: {  	s24 =	simm.s32 $0x200;
	s23 =	simm.s32 $0x0;
	[tilespmem:s22+$0x2850] =	vst.add.f32.msk $0xffff, v6  }
.LBB2_4:
0x49: {  	s23 =	sadd.s32 $0x4, s23;
	[tilespmem:s22+$0x2860] =	vst.add.f32.msk $0xffff, v0;
	s22 =	sshra.s32 s24, $0x2  }
0x4a: {  	v0 =	vld [tilespmem:s22+$0x6870];
	p0 =	slt.u32 s23, $0x1FC  }
0x4b: {  	v1 =	vld [tilespmem:s22+$0x6800]  }
0x4c: {  	v2 =	vld [tilespmem:s22+$0x6810]  }
0x4d: {  	v3 =	vld [tilespmem:s22+$0x6820]  }
0x4e: {  	v4 =	vld [tilespmem:s22+$0x6830]  }
0x4f: {  	[tilespmem:s22+$0x2870] =	vst.add.f32.msk $0xffff, v0  }
0x50: {  	v5 =	vld [tilespmem:s22+$0x6840]  }
0x51: {  	v6 =	vld [tilespmem:s22+$0x6850]  }
0x52: {  	v0 =	vld [tilespmem:s22+$0x6860]  }
0x53: {  	[tilespmem:s22+$0x2800] =	vst.add.f32.msk $0xffff, v1  }
.Ltmp0:
0x54: {  	[tilespmem:s22+$0x2810] =	vst.add.f32.msk $0xffff, v2;
	(pc) =	sbr.rel @p0 .LBB2_4-.Ltmp0, $4  }
0x55: {  	[tilespmem:s22+$0x2820] =	vst.add.f32.msk $0xffff, v3  }
0x56: {  	[tilespmem:s22+$0x2830] =	vst.add.f32.msk $0xffff, v4  }
0x57: {  	[tilespmem:s22+$0x2840] =	vst.add.f32.msk $0xffff, v5  }
0x58: {  	s24 =	sadd.s32 $0x200, s24;
	[tilespmem:s22+$0x2850] =	vst.add.f32.msk $0xffff, v6  }
0x59: {  	[tilespmem:s22+$0x2860] =	vst.add.f32.msk $0xffff, v0  }
0x5a: {  	p0 =	seq.s32 s21, $0x13  }
.Ltmp1:
0x5b: {  	_ = 	snop;
	(pc) =	sbr.rel @!p0 .LBB2_3-.Ltmp1, $1  }
0x5c: {  	_ =	sdelay $0x3  }
0x5d: {  	s20 =	sadd.s32 $0x1, s20  }
0x5e: {  	p0 =	sne.s32 s20, s6  }
.Ltmp2:
0x5f: {  	_ = 	snop;
	(pc) =	sbr.rel @p0 .LBB2_1-.Ltmp2, $4  }
0x60: {  	[hbm4b:s5+s2] =	stream.linear.scatter [tilespmem:s9], [sflag:$0x2], $0x4000, $0x38;
	[tilespmem:$0xA800] =	vst v63  }
0x61: {  	_ =	swait.ge [sflag:s7], $0x4000  }
0x62: {  	[sflag:s7] =	ssyncset.done $0x0  }
0x63: {  	[sflag:s7] =	ssyncadd.s32 $0xFFFFC000  }
0x64: {  	_ =	sfence.sel $0x180000  }
0x65: {  	[bflag:$0x0] =	sbarrier.arrive $0xFFFF  }
0x66: {  	p0 =	sne.s32 s0, $0x0;
	_ =	strace $0x90000047  }
0x67: {  	s0 =	sadd.s32 @!p0 $0x100000, s1;
	[bflag:$0x2] =	sbarrier.arrive $0xFFFF  }
0x68: {  	[sflag:s0] =	ssyncadd.tile.s32 @!p0 $0x1;
	_ =	shalt  }
.Lfunc_end2:
_tile_overlayer_lowered:
.L_overlay_start_2:
0x69: {  	(tag) =	ssettag $0x2  }
0x6a: {  	s0 =	rddreg [dreg:$0x0];
	s2 =	stileid.u32  }
0x6b: {  	s1 =	rddreg [dreg:$0x1];
	p0 =	sne.s32 s2, $0x0  }
0x6c: {  	s3 =	rddreg [dreg:$0x2];
	[bflag:$0x3] =	sbarrier.arrive $0xFFFF;
	s2 =	simm.s32 @!p0 $0x1C02  }
0x6d: {  	[timem:s3], [sflag:s2] =	dma.local @!p0 [hbm:s0], s1  }
0x6e: {  	s0 =	simm.s32 @!p0 $0x2  }
0x6f: {  	_ =	swait.ge @!p0 [sflag:s0], s1  }
0x70: {  	s1 =	ssub.s32 @!p0 $0x0, s1;
	[sflag:s0] =	ssyncset.done @!p0 $0x0  }
0x71: {  	[sflag:s0] =	ssyncadd.s32 @!p0 s1  }
0x72: {  	[bflag:$0x3] =	sbarrier.arrive $0xFFFF  }
0x73: {  	_ =	shalt  }

</sc_bundles>
